<compile_context>
chip_gen: v7x
topology: tpu7x:2x2x1
jax: 0.10.2.dev20260603
libtpu: 0.0.44.dev20260713+nightly
codegen_flags: <defaults>
</compile_context>

<pallas_src>
import functools

import jax
import jax.numpy as jnp
from jax import lax
from jax.experimental import pallas as pl
from jax.experimental.pallas import tpu as pltpu
from jax.experimental.pallas import tpu_sc as plsc

B, S = 8, 256
EMB, HID = 768, 768
VOC = 10000
G4 = 4 * HID

_NC, _NS = 2, 16
_NW = _NC * _NS
_ROWS = B * S
_RPW = _ROWS // _NW


def _sc_gather(table, ids):
    mesh = plsc.VectorSubcoreMesh(core_axis_name="c", subcore_axis_name="s")

    @functools.partial(
        pl.kernel,
        mesh=mesh,
        out_type=jax.ShapeDtypeStruct((_ROWS, EMB), jnp.float32),
        scratch_types=[
            pltpu.VMEM((_RPW,), jnp.int32),
            pltpu.VMEM((_RPW, EMB), jnp.float32),
            pltpu.SemaphoreType.DMA,
        ],
    )
    def gather_kernel(table_hbm, idx_hbm, out_hbm, idx_v, rows_v, sem):
        wid = lax.axis_index("s") * _NC + lax.axis_index("c")
        base = wid * _RPW
        pltpu.sync_copy(idx_hbm.at[pl.ds(base, _RPW)], idx_v)
        pltpu.async_copy(table_hbm.at[idx_v], rows_v, sem).wait()
        pltpu.sync_copy(rows_v, out_hbm.at[pl.ds(base, _RPW)])

    return gather_kernel(table, ids)


def _gates_body(x_ref, w_ref, bi_ref, bh_ref, out_ref):
    acc = lax.dot_general(
        x_ref[...].astype(jnp.bfloat16), w_ref[...].astype(jnp.bfloat16),
        (((1,), (1,)), ((), ())),
        preferred_element_type=jnp.float32,
    )
    out_ref[...] = acc + bi_ref[0, 0, :] + bh_ref[0, 0, :]


def _gates(x, w_ih, b_ih2, b_hh2):
    nt = 3
    nb = G4 // nt
    return pl.pallas_call(
        _gates_body,
        grid=(nt,),
        in_specs=[
            pl.BlockSpec((_ROWS, EMB), lambda n: (0, 0)),
            pl.BlockSpec((nb, EMB), lambda n: (n, 0)),
            pl.BlockSpec((1, 1, nb), lambda n: (n, 0, 0)),
            pl.BlockSpec((1, 1, nb), lambda n: (n, 0, 0)),
        ],
        out_specs=pl.BlockSpec((_ROWS, nb), lambda n: (0, n)),
        out_shape=jax.ShapeDtypeStruct((_ROWS, G4), jnp.float32),
        compiler_params=pltpu.CompilerParams(
            dimension_semantics=("arbitrary",),
        ),
    )(x, w_ih, b_ih2, b_hh2)


_T = 32


def _lstm_body(g_ref, w_ref, out_ref, h_ref, c_ref):
    t = pl.program_id(0)

    @pl.when(t == 0)
    def _():
        h_ref[...] = jnp.zeros_like(h_ref)
        c_ref[...] = jnp.zeros_like(c_ref)

    h = h_ref[...]
    c = c_ref[...]
    w = w_ref[...]
    for j in range(_T):
        gates = g_ref[j] + lax.dot_general(
            h.astype(jnp.bfloat16), w,
            (((1,), (0,)), ((), ())),
            preferred_element_type=jnp.float32,
        )
        i = jax.nn.sigmoid(gates[:, 0 * HID:1 * HID])
        f = jax.nn.sigmoid(gates[:, 1 * HID:2 * HID])
        g = jnp.tanh(gates[:, 2 * HID:3 * HID])
        o = jax.nn.sigmoid(gates[:, 3 * HID:4 * HID])
        c = f * c + i * g
        h = o * jnp.tanh(c)
        out_ref[:, j, :] = h
    h_ref[...] = h
    c_ref[...] = c


def _lstm(g, w_hh):
    return pl.pallas_call(
        _lstm_body,
        grid=(S // _T,),
        in_specs=[
            pl.BlockSpec((_T, B, G4), lambda t: (t, 0, 0)),
            pl.BlockSpec((HID, G4), lambda t: (0, 0)),
        ],
        out_specs=pl.BlockSpec((B, _T, HID), lambda t: (0, t, 0)),
        out_shape=jax.ShapeDtypeStruct((B, S, HID), jnp.float32),
        scratch_shapes=[
            pltpu.VMEM((B, HID), jnp.float32),
            pltpu.VMEM((B, HID), jnp.float32),
        ],
        compiler_params=pltpu.CompilerParams(
            dimension_semantics=("arbitrary",),
        ),
    )(g, w_hh)


_VT = 1000


def _proj_body(hs_ref, w_ref, b_ref, out_ref):
    bias = b_ref[0, 0, :][:, None]
    for b in range(B):
        hsb_t = hs_ref[b].astype(jnp.bfloat16).T
        acc = lax.dot_general(
            w_ref[...].astype(jnp.bfloat16), hsb_t,
            (((1,), (0,)), ((), ())),
            preferred_element_type=jnp.float32,
        )
        out_ref[b] = acc + bias


def _proj(hs, w_out, b_out2):
    nv = VOC // _VT
    return pl.pallas_call(
        _proj_body,
        grid=(nv,),
        in_specs=[
            pl.BlockSpec((B, S, HID), lambda v: (0, 0, 0)),
            pl.BlockSpec((_VT, HID), lambda v: (v, 0)),
            pl.BlockSpec((1, 1, _VT), lambda v: (v, 0, 0)),
        ],
        out_specs=pl.BlockSpec((B, _VT, S), lambda v: (0, v, 0)),
        out_shape=jax.ShapeDtypeStruct((B, VOC, S), jnp.float32),
        compiler_params=pltpu.CompilerParams(
            dimension_semantics=("arbitrary",),
        ),
    )(hs, w_out, b_out2)


def kernel(input_sequence, embedding, W_ih, W_hh, b_ih, b_hh, W_out, b_out):
    ids = input_sequence.astype(jnp.int32).T.reshape(-1)
    x = _sc_gather(embedding, ids)
    g = _gates(x, W_ih, b_ih.reshape(3, 1, 1024), b_hh.reshape(3, 1, 1024))
    hs = _lstm(g.reshape(S, B, G4), W_hh.T.astype(jnp.bfloat16))
    return _proj(hs, W_out, b_out.reshape(VOC // _VT, 1, _VT))

# --- scband reference (transcript-rebuilt; emitter-appended) ---
"""Pipeline reference for scband-lstm-rnn-drop-6030134084084 (READ-ONLY COPY).

The authoritative reference and input builder live on the scoring server;
editing this copy changes nothing except your own understanding.
"""

import jax, jax.numpy as jnp
import numpy as np

B, S = 8, 256
EMB, HID, VOC = 768, 768, 10000

def setup_inputs(seed: int = 0) -> dict:
    key = jax.random.key(seed)
    ks = jax.random.split(key, 8)
    input_sequence = jax.random.randint(ks[0], (B, S), 0, VOC)
    embedding = (jax.random.normal(ks[1], (VOC, EMB), dtype=jnp.float32) * 0.02).at[0].set(0.0)
    s = 1.0 / np.sqrt(HID)
    W_ih = jax.random.uniform(ks[2], (4 * HID, EMB), minval=-s, maxval=s, dtype=jnp.float32)
    W_hh = jax.random.uniform(ks[3], (4 * HID, HID), minval=-s, maxval=s, dtype=jnp.float32)
    b_ih = jax.random.uniform(ks[4], (4 * HID,), minval=-s, maxval=s, dtype=jnp.float32)
    b_hh = jax.random.uniform(ks[5], (4 * HID,), minval=-s, maxval=s, dtype=jnp.float32)
    W_out = jax.random.uniform(ks[6], (VOC, HID), minval=-s, maxval=s, dtype=jnp.float32)
    b_out = jax.random.uniform(ks[7], (VOC,), minval=-s, maxval=s, dtype=jnp.float32)
    return {"input_sequence": input_sequence, "embedding": embedding, "W_ih": W_ih, "W_hh": W_hh, "b_ih": b_ih, "b_hh": b_hh, "W_out": W_out, "b_out": b_out}

def reference(input_sequence, embedding, W_ih, W_hh, b_ih, b_hh, W_out, b_out):
    # embedding lookup (padding_idx=0 row is zero); dropout layers are identity in eval mode
    emb = jnp.take(embedding, input_sequence, axis=0)  # [B, S, E]
    xs = jnp.transpose(emb, (1, 0, 2))  # [S, B, E]
    h0 = jnp.zeros((input_sequence.shape[0], HID), dtype=embedding.dtype)
    c0 = jnp.zeros((input_sequence.shape[0], HID), dtype=embedding.dtype)

    def step(carry, x_t):
        h, c = carry
        gates = x_t @ W_ih.T + h @ W_hh.T + b_ih + b_hh
        i, f, g, o = jnp.split(gates, 4, axis=-1)  # PyTorch LSTM gate order: i, f, g, o
        i = jax.nn.sigmoid(i)
        f = jax.nn.sigmoid(f)
        g = jnp.tanh(g)
        o = jax.nn.sigmoid(o)
        c_new = f * c + i * g
        h_new = o * jnp.tanh(c_new)
        return (h_new, c_new), h_new

    (_, _), hs = jax.lax.scan(step, (h0, c0), xs)  # hs: [S, B, H]
    lstm_out = jnp.transpose(hs, (1, 0, 2))  # [B, S, H]
    logits = lstm_out @ W_out.T + b_out  # [B, S, V]
    return jnp.transpose(logits, (0, 2, 1))  # [B, V, S]

if __name__ == "__main__":
    import jax
    _d = setup_inputs()
    print(jax.jit(kernel)(*tuple(_d.values())))

</pallas_src>

<mosaic_0001>
#map = affine_map<(d0, d1) -> (0, 0)>
#map1 = affine_map<(d0, d1) -> (0)>
module attributes {stable_mosaic.version = 14 : i64} {
  func.func @gather_kernel(%arg0: i32, %arg1: i32, %arg2: memref<10000x768xf32, #tpu.memory_space<hbm>>, %arg3: memref<2048xi32, #tpu.memory_space<hbm>>, %arg4: memref<2048x768xf32, #tpu.memory_space<hbm>>, %arg5: memref<64xi32, #tpu.memory_space<vmem>>, %arg6: memref<64x768xf32, #tpu.memory_space<vmem>>, %arg7: memref<!tpu.dma_semaphore, #tpu.memory_space<semaphore_mem>>) attributes {dimension_semantics = [#tpu.dimension_semantics<core_parallel>, #tpu.dimension_semantics<subcore_parallel>], iteration_bounds = array<i64: 2, 16>, scalar_prefetch = 0 : i64, scratch_operands = 3 : i64, tpu.core_type = #tpu.core_type<sc_vector_subcore>, window_params = [{transform_indices = #map}, {transform_indices = #map1}, {transform_indices = #map}]} {
    %mul3A = arith.constant 2 : i32
    %mul3A_0 = arith.muli %arg1, %mul3A : i32
    %add3A = arith.addi %mul3A_0, %arg0 : i32
    %mul3A_1 = arith.constant 64 : i32
    %mul3A_2 = arith.muli %add3A, %mul3A_1 : i32
    "tpu.region"() ({
      %run_scoped3A = tpu.sem_alloc : memref<!tpu.dma_semaphore, #tpu.memory_space<semaphore_mem>>
      %dma_start3A_7 = tpu.memref_slice %arg3[%mul3A_2] : memref<2048xi32, #tpu.memory_space<hbm>> -> memref<64xi32, #tpu.memory_space<hbm>>
      %dma_start3A_8 = tpu.memref_slice %arg3[%mul3A_2] : memref<2048xi32, #tpu.memory_space<hbm>> -> memref<64xi32, #tpu.memory_space<hbm>>
      tpu.enqueue_dma source(%dma_start3A_8 : memref<64xi32, #tpu.memory_space<hbm>>) target(%arg5 : memref<64xi32, #tpu.memory_space<vmem>>) target_semaphore(%run_scoped3A : memref<!tpu.dma_semaphore, #tpu.memory_space<semaphore_mem>>)
      %dma_wait3A_9 = tpu.memref_slice %arg3[%mul3A_2] : memref<2048xi32, #tpu.memory_space<hbm>> -> memref<64xi32, #tpu.memory_space<hbm>>
      %dma_wait3A_10 = tpu.memref_slice %arg3[%mul3A_2] : memref<2048xi32, #tpu.memory_space<hbm>> -> memref<64xi32, #tpu.memory_space<hbm>>
      tpu.wait_dma2 semaphore(%run_scoped3A : memref<!tpu.dma_semaphore, #tpu.memory_space<semaphore_mem>>) src(%dma_wait3A_10 : memref<64xi32, #tpu.memory_space<hbm>>) dst(%arg5 : memref<64xi32, #tpu.memory_space<vmem>>)
      tpu.yield
    }) : () -> ()
    %dma_start3A = arith.constant 0 : i32
    %dma_start3A_3 = arith.constant 0 : i32
    %dma_start3A_4 = tpu.memref_slice %arg2[%dma_start3A, %dma_start3A_3] : memref<10000x768xf32, #tpu.memory_space<hbm>> -> memref<10000x768xf32, #tpu.memory_space<hbm>>
    tpu.enqueue_indirect_dma source(%dma_start3A_4 : memref<10000x768xf32, #tpu.memory_space<hbm>>) target(%arg6 : memref<64x768xf32, #tpu.memory_space<vmem>>) offsets(%arg5 : memref<64xi32, #tpu.memory_space<vmem>>) semaphore(%arg7 : memref<!tpu.dma_semaphore, #tpu.memory_space<semaphore_mem>>)
    %dma_wait3A = arith.constant 0 : i32
    %dma_wait3A_5 = arith.constant 0 : i32
    %dma_wait3A_6 = tpu.memref_slice %arg2[%dma_wait3A, %dma_wait3A_5] : memref<10000x768xf32, #tpu.memory_space<hbm>> -> memref<10000x768xf32, #tpu.memory_space<hbm>>
    tpu.wait_indirect_dma semaphore(%arg7 : memref<!tpu.dma_semaphore, #tpu.memory_space<semaphore_mem>>) src(%dma_wait3A_6 : memref<10000x768xf32, #tpu.memory_space<hbm>>) dst(%arg6 : memref<64x768xf32, #tpu.memory_space<vmem>>)
    "tpu.region"() ({
      %run_scoped3A = tpu.sem_alloc : memref<!tpu.dma_semaphore, #tpu.memory_space<semaphore_mem>>
      %dma_start3A_7 = arith.constant 0 : i32
      %dma_start3A_8 = tpu.memref_slice %arg4[%mul3A_2, %dma_start3A_7] : memref<2048x768xf32, #tpu.memory_space<hbm>> -> memref<64x768xf32, #tpu.memory_space<hbm>>
      %dma_start3A_9 = arith.constant 0 : i32
      %dma_start3A_10 = tpu.memref_slice %arg4[%mul3A_2, %dma_start3A_9] : memref<2048x768xf32, #tpu.memory_space<hbm>> -> memref<64x768xf32, #tpu.memory_space<hbm>>
      tpu.enqueue_dma source(%arg6 : memref<64x768xf32, #tpu.memory_space<vmem>>) target(%dma_start3A_10 : memref<64x768xf32, #tpu.memory_space<hbm>>) target_semaphore(%run_scoped3A : memref<!tpu.dma_semaphore, #tpu.memory_space<semaphore_mem>>)
      %dma_wait3A_11 = arith.constant 0 : i32
      %dma_wait3A_12 = tpu.memref_slice %arg4[%mul3A_2, %dma_wait3A_11] : memref<2048x768xf32, #tpu.memory_space<hbm>> -> memref<64x768xf32, #tpu.memory_space<hbm>>
      %dma_wait3A_13 = arith.constant 0 : i32
      %dma_wait3A_14 = tpu.memref_slice %arg4[%mul3A_2, %dma_wait3A_13] : memref<2048x768xf32, #tpu.memory_space<hbm>> -> memref<64x768xf32, #tpu.memory_space<hbm>>
      tpu.wait_dma2 semaphore(%run_scoped3A : memref<!tpu.dma_semaphore, #tpu.memory_space<semaphore_mem>>) src(%arg6 : memref<64x768xf32, #tpu.memory_space<vmem>>) dst(%dma_wait3A_14 : memref<64x768xf32, #tpu.memory_space<hbm>>)
      tpu.yield
    }) : () -> ()
    return
  }
}

module attributes {stable_mosaic.version = 14 : i64} {
  func.func @_lstm_body(%arg0: i32, %arg1: memref<32x8x3072xf32, #tpu.memory_space<vmem>>, %arg2: memref<768x3072xbf16, #tpu.memory_space<vmem>>, %arg3: memref<8x32x768xf32, #tpu.memory_space<vmem>>, %arg4: memref<8x768xf32, #tpu.memory_space<vmem>>, %arg5: memref<8x768xf32, #tpu.memory_space<vmem>>) attributes {dimension_semantics = [#tpu.dimension_semantics<arbitrary>], iteration_bounds = array<i64: 8>, scalar_prefetch = 0 : i64, scratch_operands = 2 : i64, tpu.core_type = #tpu.core_type<tc>, window_params = [{transform_indices = @transform_0, window_bounds = array<i64: 32, 8, 3072>}, {pipeline_mode = #tpu.pipeline_mode<synchronous>, transform_indices = @transform_1, window_bounds = array<i64: 768, 3072>}, {transform_indices = @transform_2, window_bounds = array<i64: 8, 32, 768>}]} {
    %eq3A = arith.constant 0 : i32
    %eq3A_0 = arith.cmpi eq, %arg0, %eq3A : i32
    %convert_element_type3A = arith.extui %eq3A_0 : i1 to i32
    %cond3A = arith.constant 0 : i32
    %cond3A_1 = arith.cmpi ne, %convert_element_type3A, %cond3A : i32
    scf.if %cond3A_1 {
      %broadcast_in_dim3A = arith.constant 0.000000e+00 : f32
      %broadcast_in_dim3A_1385 = vector.broadcast %broadcast_in_dim3A : f32 to vector<8x768xf32>
      %swap3A_1386 = arith.constant 0 : index
      %swap3A_1387 = arith.constant 0 : index
      %swap3A_1388 = vector.load %arg4[%swap3A_1386, %swap3A_1387] : memref<8x768xf32, #tpu.memory_space<vmem>>, vector<8x768xf32>
      tpu.vector_store %arg4[%swap3A_1386, %swap3A_1387], %broadcast_in_dim3A_1385 {strides = array<i32>} : memref<8x768xf32, #tpu.memory_space<vmem>>, vector<8x768xf32>,
      %broadcast_in_dim3A_1389 = arith.constant 0.000000e+00 : f32
      %broadcast_in_dim3A_1390 = vector.broadcast %broadcast_in_dim3A_1389 : f32 to vector<8x768xf32>
      %swap3A_1391 = arith.constant 0 : index
      %swap3A_1392 = arith.constant 0 : index
      %swap3A_1393 = vector.load %arg5[%swap3A_1391, %swap3A_1392] : memref<8x768xf32, #tpu.memory_space<vmem>>, vector<8x768xf32>
      tpu.vector_store %arg5[%swap3A_1391, %swap3A_1392], %broadcast_in_dim3A_1390 {strides = array<i32>} : memref<8x768xf32, #tpu.memory_space<vmem>>, vector<8x768xf32>,
    } else {
    }
    %get3A = arith.constant 0 : index
    %get3A_2 = arith.constant 0 : index
    %get3A_3 = vector.load %arg4[%get3A, %get3A_2] : memref<8x768xf32, #tpu.memory_space<vmem>>, vector<8x768xf32>
    %get3A_4 = arith.constant 0 : index
    %get3A_5 = arith.constant 0 : index
    %get3A_6 = vector.load %arg5[%get3A_4, %get3A_5] : memref<8x768xf32, #tpu.memory_space<vmem>>, vector<8x768xf32>
    %get3A_7 = arith.constant 0 : index
    %get3A_8 = arith.constant 0 : index
    %get3A_9 = vector.load %arg2[%get3A_7, %get3A_8] : memref<768x3072xbf16, #tpu.memory_space<vmem>>, vector<768x3072xbf16>
    %get3A_10 = arith.constant 0 : index
    %get3A_11 = arith.constant 0 : index
    %get3A_12 = arith.constant 0 : index
    %get3A_13 = vector.load %arg1[%get3A_10, %get3A_11, %get3A_12] : memref<32x8x3072xf32, #tpu.memory_space<vmem>>, vector<1x8x3072xf32>
    %get3A_14 = vector.shape_cast %get3A_13 : vector<1x8x3072xf32> to vector<8x3072xf32>
    %convert_element_type3A_15 = arith.truncf %get3A_3 : vector<8x768xf32> to vector<8x768xbf16>
    %dot_general3A = arith.constant dense<0.000000e+00> : vector<8x3072xf32>
    %dot_general3A_16 = tpu.matmul %convert_element_type3A_15, %get3A_9, %dot_general3A {dimension_numbers = #tpu.dot_dimension_numbers<[1], [0], [0], [1], [0, 0, 1, 1], [], []>, transpose_lhs_hint = false} : vector<8x768xbf16>, vector<768x3072xbf16>, vector<8x3072xf32> -> vector<8x3072xf32>
    %add3A = arith.addf %get3A_14, %dot_general3A_16 : vector<8x3072xf32>
    %slice3A = vector.extract_strided_slice %add3A {offsets = [0, 0], sizes = [8, 768], strides = [1, 1]} : vector<8x3072xf32> to vector<8x768xf32>
    %logistic3A = arith.negf %slice3A : vector<8x768xf32>
    %logistic3A_17 = math.exp %logistic3A : vector<8x768xf32>
    %logistic3A_18 = arith.constant 1.000000e+00 : f32
    %logistic3A_19 = vector.broadcast %logistic3A_18 : f32 to vector<8x768xf32>
    %logistic3A_20 = arith.addf %logistic3A_19, %logistic3A_17 : vector<8x768xf32>
    %logistic3A_21 = arith.divf %logistic3A_19, %logistic3A_20 : vector<8x768xf32>
    %slice3A_22 = vector.extract_strided_slice %add3A {offsets = [0, 768], sizes = [8, 768], strides = [1, 1]} : vector<8x3072xf32> to vector<8x768xf32>
    %logistic3A_23 = arith.negf %slice3A_22 : vector<8x768xf32>
    %logistic3A_24 = math.exp %logistic3A_23 : vector<8x768xf32>
    %logistic3A_25 = arith.constant 1.000000e+00 : f32
    %logistic3A_26 = vector.broadcast %logistic3A_25 : f32 to vector<8x768xf32>
    %logistic3A_27 = arith.addf %logistic3A_26, %logistic3A_24 : vector<8x768xf32>
    %logistic3A_28 = arith.divf %logistic3A_26, %logistic3A_27 : vector<8x768xf32>
    %slice3A_29 = vector.extract_strided_slice %add3A {offsets = [0, 1536], sizes = [8, 768], strides = [1, 1]} : vector<8x3072xf32> to vector<8x768xf32>
    %tanh3A = math.tanh %slice3A_29 : vector<8x768xf32>
    %slice3A_30 = vector.extract_strided_slice %add3A {offsets = [0, 2304], sizes = [8, 768], strides = [1, 1]} : vector<8x3072xf32> to vector<8x768xf32>
    %logistic3A_31 = arith.negf %slice3A_30 : vector<8x768xf32>
    %logistic3A_32 = math.exp %logistic3A_31 : vector<8x768xf32>
    %logistic3A_33 = arith.constant 1.000000e+00 : f32
    %logistic3A_34 = vector.broadcast %logistic3A_33 : f32 to vector<8x768xf32>
    %logistic3A_35 = arith.addf %logistic3A_34, %logistic3A_32 : vector<8x768xf32>
    %logistic3A_36 = arith.divf %logistic3A_34, %logistic3A_35 : vector<8x768xf32>
    %mul3A = arith.mulf %logistic3A_28, %get3A_6 : vector<8x768xf32>
    %mul3A_37 = arith.mulf %logistic3A_21, %tanh3A : vector<8x768xf32>
    %add3A_38 = arith.addf %mul3A, %mul3A_37 : vector<8x768xf32>
    %tanh3A_39 = math.tanh %add3A_38 : vector<8x768xf32>
    %mul3A_40 = arith.mulf %logistic3A_36, %tanh3A_39 : vector<8x768xf32>
    %swap3A = arith.constant 0 : index
    %swap3A_41 = arith.constant 0 : index
    %swap3A_42 = arith.constant 0 : index
    %swap3A_43 = vector.load %arg3[%swap3A, %swap3A_41, %swap3A_42] : memref<8x32x768xf32, #tpu.memory_space<vmem>>, vector<8x1x768xf32>
    %swap3A_44 = vector.shape_cast %swap3A_43 : vector<8x1x768xf32> to vector<8x768xf32>
    %swap3A_45 = vector.shape_cast %mul3A_40 : vector<8x768xf32> to vector<8x1x768xf32>
    tpu.vector_store %arg3[%swap3A, %swap3A_41, %swap3A_42], %swap3A_45 {strides = array<i32>} : memref<8x32x768xf32, #tpu.memory_space<vmem>>, vector<8x1x768xf32>,
    %get3A_46 = arith.constant 1 : index
    %get3A_47 = arith.constant 0 : index
    %get3A_48 = arith.constant 0 : index
    %get3A_49 = vector.load %arg1[%get3A_46, %get3A_47, %get3A_48] : memref<32x8x3072xf32, #tpu.memory_space<vmem>>, vector<1x8x3072xf32>
    %get3A_50 = vector.shape_cast %get3A_49 : vector<1x8x3072xf32> to vector<8x3072xf32>
    %convert_element_type3A_51 = arith.truncf %mul3A_40 : vector<8x768xf32> to vector<8x768xbf16>
    %dot_general3A_52 = arith.constant dense<0.000000e+00> : vector<8x3072xf32>
    %dot_general3A_53 = tpu.matmul %convert_element_type3A_51, %get3A_9, %dot_general3A_52 {dimension_numbers = #tpu.dot_dimension_numbers<[1], [0], [0], [1], [0, 0, 1, 1], [], []>, transpose_lhs_hint = false} : vector<8x768xbf16>, vector<768x3072xbf16>, vector<8x3072xf32> -> vector<8x3072xf32>
    %add3A_54 = arith.addf %get3A_50, %dot_general3A_53 : vector<8x3072xf32>
    %slice3A_55 = vector.extract_strided_slice %add3A_54 {offsets = [0, 0], sizes = [8, 768], strides = [1, 1]} : vector<8x3072xf32> to vector<8x768xf32>
    %logistic3A_56 = arith.negf %slice3A_55 : vector<8x768xf32>
    %logistic3A_57 = math.exp %logistic3A_56 : vector<8x768xf32>
    %logistic3A_58 = arith.constant 1.000000e+00 : f32
    %logistic3A_59 = vector.broadcast %logistic3A_58 : f32 to vector<8x768xf32>
    %logistic3A_60 = arith.addf %logistic3A_59, %logistic3A_57 : vector<8x768xf32>
    %logistic3A_61 = arith.divf %logistic3A_59, %logistic3A_60 : vector<8x768xf32>
    %slice3A_62 = vector.extract_strided_slice %add3A_54 {offsets = [0, 768], sizes = [8, 768], strides = [1, 1]} : vector<8x3072xf32> to vector<8x768xf32>
    %logistic3A_63 = arith.negf %slice3A_62 : vector<8x768xf32>
    %logistic3A_64 = math.exp %logistic3A_63 : vector<8x768xf32>
    %logistic3A_65 = arith.constant 1.000000e+00 : f32
    %logistic3A_66 = vector.broadcast %logistic3A_65 : f32 to vector<8x768xf32>
    %logistic3A_67 = arith.addf %logistic3A_66, %logistic3A_64 : vector<8x768xf32>
    %logistic3A_68 = arith.divf %logistic3A_66, %logistic3A_67 : vector<8x768xf32>
    %slice3A_69 = vector.extract_strided_slice %add3A_54 {offsets = [0, 1536], sizes = [8, 768], strides = [1, 1]} : vector<8x3072xf32> to vector<8x768xf32>
    %tanh3A_70 = math.tanh %slice3A_69 : vector<8x768xf32>
    %slice3A_71 = vector.extract_strided_slice %add3A_54 {offsets = [0, 2304], sizes = [8, 768], strides = [1, 1]} : vector<8x3072xf32> to vector<8x768xf32>
    %logistic3A_72 = arith.negf %slice3A_71 : vector<8x768xf32>
    %logistic3A_73 = math.exp %logistic3A_72 : vector<8x768xf32>
    %logistic3A_74 = arith.constant 1.000000e+00 : f32
    %logistic3A_75 = vector.broadcast %logistic3A_74 : f32 to vector<8x768xf32>
    %logistic3A_76 = arith.addf %logistic3A_75, %logistic3A_73 : vector<8x768xf32>
    %logistic3A_77 = arith.divf %logistic3A_75, %logistic3A_76 : vector<8x768xf32>
    %mul3A_78 = arith.mulf %logistic3A_68, %add3A_38 : vector<8x768xf32>
    %mul3A_79 = arith.mulf %logistic3A_61, %tanh3A_70 : vector<8x768xf32>
    %add3A_80 = arith.addf %mul3A_78, %mul3A_79 : vector<8x768xf32>
    %tanh3A_81 = math.tanh %add3A_80 : vector<8x768xf32>
    %mul3A_82 = arith.mulf %logistic3A_77, %tanh3A_81 : vector<8x768xf32>
    %swap3A_83 = arith.constant 0 : index
    %swap3A_84 = arith.constant 1 : index
    %swap3A_85 = arith.constant 0 : index
    %swap3A_86 = vector.load %arg3[%swap3A_83, %swap3A_84, %swap3A_85] : memref<8x32x768xf32, #tpu.memory_space<vmem>>, vector<8x1x768xf32>
    %swap3A_87 = vector.shape_cast %swap3A_86 : vector<8x1x768xf32> to vector<8x768xf32>
    %swap3A_88 = vector.shape_cast %mul3A_82 : vector<8x768xf32> to vector<8x1x768xf32>
    tpu.vector_store %arg3[%swap3A_83, %swap3A_84, %swap3A_85], %swap3A_88 {strides = array<i32>} : memref<8x32x768xf32, #tpu.memory_space<vmem>>, vector<8x1x768xf32>,
    %get3A_89 = arith.constant 2 : index
    %get3A_90 = arith.constant 0 : index
    %get3A_91 = arith.constant 0 : index
    %get3A_92 = vector.load %arg1[%get3A_89, %get3A_90, %get3A_91] : memref<32x8x3072xf32, #tpu.memory_space<vmem>>, vector<1x8x3072xf32>
    %get3A_93 = vector.shape_cast %get3A_92 : vector<1x8x3072xf32> to vector<8x3072xf32>
    %convert_element_type3A_94 = arith.truncf %mul3A_82 : vector<8x768xf32> to vector<8x768xbf16>
    %dot_general3A_95 = arith.constant dense<0.000000e+00> : vector<8x3072xf32>
    %dot_general3A_96 = tpu.matmul %convert_element_type3A_94, %get3A_9, %dot_general3A_95 {dimension_numbers = #tpu.dot_dimension_numbers<[1], [0], [0], [1], [0, 0, 1, 1], [], []>, transpose_lhs_hint = false} : vector<8x768xbf16>, vector<768x3072xbf16>, vector<8x3072xf32> -> vector<8x3072xf32>
    %add3A_97 = arith.addf %get3A_93, %dot_general3A_96 : vector<8x3072xf32>
    %slice3A_98 = vector.extract_strided_slice %add3A_97 {offsets = [0, 0], sizes = [8, 768], strides = [1, 1]} : vector<8x3072xf32> to vector<8x768xf32>
    %logistic3A_99 = arith.negf %slice3A_98 : vector<8x768xf32>
    %logistic3A_100 = math.exp %logistic3A_99 : vector<8x768xf32>
    %logistic3A_101 = arith.constant 1.000000e+00 : f32
    %logistic3A_102 = vector.broadcast %logistic3A_101 : f32 to vector<8x768xf32>
    %logistic3A_103 = arith.addf %logistic3A_102, %logistic3A_100 : vector<8x768xf32>
    %logistic3A_104 = arith.divf %logistic3A_102, %logistic3A_103 : vector<8x768xf32>
    %slice3A_105 = vector.extract_strided_slice %add3A_97 {offsets = [0, 768], sizes = [8, 768], strides = [1, 1]} : vector<8x3072xf32> to vector<8x768xf32>
    %logistic3A_106 = arith.negf %slice3A_105 : vector<8x768xf32>
    %logistic3A_107 = math.exp %logistic3A_106 : vector<8x768xf32>
    %logistic3A_108 = arith.constant 1.000000e+00 : f32
    %logistic3A_109 = vector.broadcast %logistic3A_108 : f32 to vector<8x768xf32>
    %logistic3A_110 = arith.addf %logistic3A_109, %logistic3A_107 : vector<8x768xf32>
    %logistic3A_111 = arith.divf %logistic3A_109, %logistic3A_110 : vector<8x768xf32>
    %slice3A_112 = vector.extract_strided_slice %add3A_97 {offsets = [0, 1536], sizes = [8, 768], strides = [1, 1]} : vector<8x3072xf32> to vector<8x768xf32>
    %tanh3A_113 = math.tanh %slice3A_112 : vector<8x768xf32>
    %slice3A_114 = vector.extract_strided_slice %add3A_97 {offsets = [0, 2304], sizes = [8, 768], strides = [1, 1]} : vector<8x3072xf32> to vector<8x768xf32>
    %logistic3A_115 = arith.negf %slice3A_114 : vector<8x768xf32>
    %logistic3A_116 = math.exp %logistic3A_115 : vector<8x768xf32>
    %logistic3A_117 = arith.constant 1.000000e+00 : f32
    %logistic3A_118 = vector.broadcast %logistic3A_117 : f32 to vector<8x768xf32>
    %logistic3A_119 = arith.addf %logistic3A_118, %logistic3A_116 : vector<8x768xf32>
    %logistic3A_120 = arith.divf %logistic3A_118, %logistic3A_119 : vector<8x768xf32>
    %mul3A_121 = arith.mulf %logistic3A_111, %add3A_80 : vector<8x768xf32>
    %mul3A_122 = arith.mulf %logistic3A_104, %tanh3A_113 : vector<8x768xf32>
    %add3A_123 = arith.addf %mul3A_121, %mul3A_122 : vector<8x768xf32>
    %tanh3A_124 = math.tanh %add3A_123 : vector<8x768xf32>
    %mul3A_125 = arith.mulf %logistic3A_120, %tanh3A_124 : vector<8x768xf32>
    %swap3A_126 = arith.constant 0 : index
    %swap3A_127 = arith.constant 2 : index
    %swap3A_128 = arith.constant 0 : index
    %swap3A_129 = vector.load %arg3[%swap3A_126, %swap3A_127, %swap3A_128] : memref<8x32x768xf32, #tpu.memory_space<vmem>>, vector<8x1x768xf32>
    %swap3A_130 = vector.shape_cast %swap3A_129 : vector<8x1x768xf32> to vector<8x768xf32>
    %swap3A_131 = vector.shape_cast %mul3A_125 : vector<8x768xf32> to vector<8x1x768xf32>
    tpu.vector_store %arg3[%swap3A_126, %swap3A_127, %swap3A_128], %swap3A_131 {strides = array<i32>} : memref<8x32x768xf32, #tpu.memory_space<vmem>>, vector<8x1x768xf32>,
    %get3A_132 = arith.constant 3 : index
    %get3A_133 = arith.constant 0 : index
    %get3A_134 = arith.constant 0 : index
    %get3A_135 = vector.load %arg1[%get3A_132, %get3A_133, %get3A_134] : memref<32x8x3072xf32, #tpu.memory_space<vmem>>, vector<1x8x3072xf32>
    %get3A_136 = vector.shape_cast %get3A_135 : vector<1x8x3072xf32> to vector<8x3072xf32>
    %convert_element_type3A_137 = arith.truncf %mul3A_125 : vector<8x768xf32> to vector<8x768xbf16>
    %dot_general3A_138 = arith.constant dense<0.000000e+00> : vector<8x3072xf32>
    %dot_general3A_139 = tpu.matmul %convert_element_type3A_137, %get3A_9, %dot_general3A_138 {dimension_numbers = #tpu.dot_dimension_numbers<[1], [0], [0], [1], [0, 0, 1, 1], [], []>, transpose_lhs_hint = false} : vector<8x768xbf16>, vector<768x3072xbf16>, vector<8x3072xf32> -> vector<8x3072xf32>
    %add3A_140 = arith.addf %get3A_136, %dot_general3A_139 : vector<8x3072xf32>
    %slice3A_141 = vector.extract_strided_slice %add3A_140 {offsets = [0, 0], sizes = [8, 768], strides = [1, 1]} : vector<8x3072xf32> to vector<8x768xf32>
    %logistic3A_142 = arith.negf %slice3A_141 : vector<8x768xf32>
    %logistic3A_143 = math.exp %logistic3A_142 : vector<8x768xf32>
    %logistic3A_144 = arith.constant 1.000000e+00 : f32
    %logistic3A_145 = vector.broadcast %logistic3A_144 : f32 to vector<8x768xf32>
    %logistic3A_146 = arith.addf %logistic3A_145, %logistic3A_143 : vector<8x768xf32>
    %logistic3A_147 = arith.divf %logistic3A_145, %logistic3A_146 : vector<8x768xf32>
    %slice3A_148 = vector.extract_strided_slice %add3A_140 {offsets = [0, 768], sizes = [8, 768], strides = [1, 1]} : vector<8x3072xf32> to vector<8x768xf32>
    %logistic3A_149 = arith.negf %slice3A_148 : vector<8x768xf32>
    %logistic3A_150 = math.exp %logistic3A_149 : vector<8x768xf32>
    %logistic3A_151 = arith.constant 1.000000e+00 : f32
    %logistic3A_152 = vector.broadcast %logistic3A_151 : f32 to vector<8x768xf32>
    %logistic3A_153 = arith.addf %logistic3A_152, %logistic3A_150 : vector<8x768xf32>
    %logistic3A_154 = arith.divf %logistic3A_152, %logistic3A_153 : vector<8x768xf32>
    %slice3A_155 = vector.extract_strided_slice %add3A_140 {offsets = [0, 1536], sizes = [8, 768], strides = [1, 1]} : vector<8x3072xf32> to vector<8x768xf32>
    %tanh3A_156 = math.tanh %slice3A_155 : vector<8x768xf32>
    %slice3A_157 = vector.extract_strided_slice %add3A_140 {offsets = [0, 2304], sizes = [8, 768], strides = [1, 1]} : vector<8x3072xf32> to vector<8x768xf32>
    %logistic3A_158 = arith.negf %slice3A_157 : vector<8x768xf32>
    %logistic3A_159 = math.exp %logistic3A_158 : vector<8x768xf32>
    %logistic3A_160 = arith.constant 1.000000e+00 : f32
    %logistic3A_161 = vector.broadcast %logistic3A_160 : f32 to vector<8x768xf32>
    %logistic3A_162 = arith.addf %logistic3A_161, %logistic3A_159 : vector<8x768xf32>
    %logistic3A_163 = arith.divf %logistic3A_161, %logistic3A_162 : vector<8x768xf32>
    %mul3A_164 = arith.mulf %logistic3A_154, %add3A_123 : vector<8x768xf32>
    %mul3A_165 = arith.mulf %logistic3A_147, %tanh3A_156 : vector<8x768xf32>
    %add3A_166 = arith.addf %mul3A_164, %mul3A_165 : vector<8x768xf32>
    %tanh3A_167 = math.tanh %add3A_166 : vector<8x768xf32>
    %mul3A_168 = arith.mulf %logistic3A_163, %tanh3A_167 : vector<8x768xf32>
    %swap3A_169 = arith.constant 0 : index
    %swap3A_170 = arith.constant 3 : index
    %swap3A_171 = arith.constant 0 : index
    %swap3A_172 = vector.load %arg3[%swap3A_169, %swap3A_170, %swap3A_171] : memref<8x32x768xf32, #tpu.memory_space<vmem>>, vector<8x1x768xf32>
    %swap3A_173 = vector.shape_cast %swap3A_172 : vector<8x1x768xf32> to vector<8x768xf32>
    %swap3A_174 = vector.shape_cast %mul3A_168 : vector<8x768xf32> to vector<8x1x768xf32>
    tpu.vector_store %arg3[%swap3A_169, %swap3A_170, %swap3A_171], %swap3A_174 {strides = array<i32>} : memref<8x32x768xf32, #tpu.memory_space<vmem>>, vector<8x1x768xf32>,
    %get3A_175 = arith.constant 4 : index
    %get3A_176 = arith.constant 0 : index
    %get3A_177 = arith.constant 0 : index
    %get3A_178 = vector.load %arg1[%get3A_175, %get3A_176, %get3A_177] : memref<32x8x3072xf32, #tpu.memory_space<vmem>>, vector<1x8x3072xf32>
    %get3A_179 = vector.shape_cast %get3A_178 : vector<1x8x3072xf32> to vector<8x3072xf32>
    %convert_element_type3A_180 = arith.truncf %mul3A_168 : vector<8x768xf32> to vector<8x768xbf16>
    %dot_general3A_181 = arith.constant dense<0.000000e+00> : vector<8x3072xf32>
    %dot_general3A_182 = tpu.matmul %convert_element_type3A_180, %get3A_9, %dot_general3A_181 {dimension_numbers = #tpu.dot_dimension_numbers<[1], [0], [0], [1], [0, 0, 1, 1], [], []>, transpose_lhs_hint = false} : vector<8x768xbf16>, vector<768x3072xbf16>, vector<8x3072xf32> -> vector<8x3072xf32>
    %add3A_183 = arith.addf %get3A_179, %dot_general3A_182 : vector<8x3072xf32>
    %slice3A_184 = vector.extract_strided_slice %add3A_183 {offsets = [0, 0], sizes = [8, 768], strides = [1, 1]} : vector<8x3072xf32> to vector<8x768xf32>
    %logistic3A_185 = arith.negf %slice3A_184 : vector<8x768xf32>
    %logistic3A_186 = math.exp %logistic3A_185 : vector<8x768xf32>
    %logistic3A_187 = arith.constant 1.000000e+00 : f32
    %logistic3A_188 = vector.broadcast %logistic3A_187 : f32 to vector<8x768xf32>
    %logistic3A_189 = arith.addf %logistic3A_188, %logistic3A_186 : vector<8x768xf32>
    %logistic3A_190 = arith.divf %logistic3A_188, %logistic3A_189 : vector<8x768xf32>
    %slice3A_191 = vector.extract_strided_slice %add3A_183 {offsets = [0, 768], sizes = [8, 768], strides = [1, 1]} : vector<8x3072xf32> to vector<8x768xf32>
    %logistic3A_192 = arith.negf %slice3A_191 : vector<8x768xf32>
    %logistic3A_193 = math.exp %logistic3A_192 : vector<8x768xf32>
    %logistic3A_194 = arith.constant 1.000000e+00 : f32
    %logistic3A_195 = vector.broadcast %logistic3A_194 : f32 to vector<8x768xf32>
    %logistic3A_196 = arith.addf %logistic3A_195, %logistic3A_193 : vector<8x768xf32>
    %logistic3A_197 = arith.divf %logistic3A_195, %logistic3A_196 : vector<8x768xf32>
    %slice3A_198 = vector.extract_strided_slice %add3A_183 {offsets = [0, 1536], sizes = [8, 768], strides = [1, 1]} : vector<8x3072xf32> to vector<8x768xf32>
    %tanh3A_199 = math.tanh %slice3A_198 : vector<8x768xf32>
    %slice3A_200 = vector.extract_strided_slice %add3A_183 {offsets = [0, 2304], sizes = [8, 768], strides = [1, 1]} : vector<8x3072xf32> to vector<8x768xf32>
    %logistic3A_201 = arith.negf %slice3A_200 : vector<8x768xf32>
    %logistic3A_202 = math.exp %logistic3A_201 : vector<8x768xf32>
    %logistic3A_203 = arith.constant 1.000000e+00 : f32
    %logistic3A_204 = vector.broadcast %logistic3A_203 : f32 to vector<8x768xf32>
    %logistic3A_205 = arith.addf %logistic3A_204, %logistic3A_202 : vector<8x768xf32>
    %logistic3A_206 = arith.divf %logistic3A_204, %logistic3A_205 : vector<8x768xf32>
    %mul3A_207 = arith.mulf %logistic3A_197, %add3A_166 : vector<8x768xf32>
    %mul3A_208 = arith.mulf %logistic3A_190, %tanh3A_199 : vector<8x768xf32>
    %add3A_209 = arith.addf %mul3A_207, %mul3A_208 : vector<8x768xf32>
    %tanh3A_210 = math.tanh %add3A_209 : vector<8x768xf32>
    %mul3A_211 = arith.mulf %logistic3A_206, %tanh3A_210 : vector<8x768xf32>
    %swap3A_212 = arith.constant 0 : index
    %swap3A_213 = arith.constant 4 : index
    %swap3A_214 = arith.constant 0 : index
    %swap3A_215 = vector.load %arg3[%swap3A_212, %swap3A_213, %swap3A_214] : memref<8x32x768xf32, #tpu.memory_space<vmem>>, vector<8x1x768xf32>
    %swap3A_216 = vector.shape_cast %swap3A_215 : vector<8x1x768xf32> to vector<8x768xf32>
    %swap3A_217 = vector.shape_cast %mul3A_211 : vector<8x768xf32> to vector<8x1x768xf32>
    tpu.vector_store %arg3[%swap3A_212, %swap3A_213, %swap3A_214], %swap3A_217 {strides = array<i32>} : memref<8x32x768xf32, #tpu.memory_space<vmem>>, vector<8x1x768xf32>,
    %get3A_218 = arith.constant 5 : index
    %get3A_219 = arith.constant 0 : index
    %get3A_220 = arith.constant 0 : index
    %get3A_221 = vector.load %arg1[%get3A_218, %get3A_219, %get3A_220] : memref<32x8x3072xf32, #tpu.memory_space<vmem>>, vector<1x8x3072xf32>
    %get3A_222 = vector.shape_cast %get3A_221 : vector<1x8x3072xf32> to vector<8x3072xf32>
    %convert_element_type3A_223 = arith.truncf %mul3A_211 : vector<8x768xf32> to vector<8x768xbf16>
    %dot_general3A_224 = arith.constant dense<0.000000e+00> : vector<8x3072xf32>
    %dot_general3A_225 = tpu.matmul %convert_element_type3A_223, %get3A_9, %dot_general3A_224 {dimension_numbers = #tpu.dot_dimension_numbers<[1], [0], [0], [1], [0, 0, 1, 1], [], []>, transpose_lhs_hint = false} : vector<8x768xbf16>, vector<768x3072xbf16>, vector<8x3072xf32> -> vector<8x3072xf32>
    %add3A_226 = arith.addf %get3A_222, %dot_general3A_225 : vector<8x3072xf32>
    %slice3A_227 = vector.extract_strided_slice %add3A_226 {offsets = [0, 0], sizes = [8, 768], strides = [1, 1]} : vector<8x3072xf32> to vector<8x768xf32>
    %logistic3A_228 = arith.negf %slice3A_227 : vector<8x768xf32>
    %logistic3A_229 = math.exp %logistic3A_228 : vector<8x768xf32>
    %logistic3A_230 = arith.constant 1.000000e+00 : f32
    %logistic3A_231 = vector.broadcast %logistic3A_230 : f32 to vector<8x768xf32>
    %logistic3A_232 = arith.addf %logistic3A_231, %logistic3A_229 : vector<8x768xf32>
    %logistic3A_233 = arith.divf %logistic3A_231, %logistic3A_232 : vector<8x768xf32>
    %slice3A_234 = vector.extract_strided_slice %add3A_226 {offsets = [0, 768], sizes = [8, 768], strides = [1, 1]} : vector<8x3072xf32> to vector<8x768xf32>
    %logistic3A_235 = arith.negf %slice3A_234 : vector<8x768xf32>
    %logistic3A_236 = math.exp %logistic3A_235 : vector<8x768xf32>
    %logistic3A_237 = arith.constant 1.000000e+00 : f32
    %logistic3A_238 = vector.broadcast %logistic3A_237 : f32 to vector<8x768xf32>
    %logistic3A_239 = arith.addf %logistic3A_238, %logistic3A_236 : vector<8x768xf32>
    %logistic3A_240 = arith.divf %logistic3A_238, %logistic3A_239 : vector<8x768xf32>
    %slice3A_241 = vector.extract_strided_slice %add3A_226 {offsets = [0, 1536], sizes = [8, 768], strides = [1, 1]} : vector<8x3072xf32> to vector<8x768xf32>
    %tanh3A_242 = math.tanh %slice3A_241 : vector<8x768xf32>
    %slice3A_243 = vector.extract_strided_slice %add3A_226 {offsets = [0, 2304], sizes = [8, 768], strides = [1, 1]} : vector<8x3072xf32> to vector<8x768xf32>
    %logistic3A_244 = arith.negf %slice3A_243 : vector<8x768xf32>
    %logistic3A_245 = math.exp %logistic3A_244 : vector<8x768xf32>
    %logistic3A_246 = arith.constant 1.000000e+00 : f32
    %logistic3A_247 = vector.broadcast %logistic3A_246 : f32 to vector<8x768xf32>
    %logistic3A_248 = arith.addf %logistic3A_247, %logistic3A_245 : vector<8x768xf32>
    %logistic3A_249 = arith.divf %logistic3A_247, %logistic3A_248 : vector<8x768xf32>
    %mul3A_250 = arith.mulf %logistic3A_240, %add3A_209 : vector<8x768xf32>
    %mul3A_251 = arith.mulf %logistic3A_233, %tanh3A_242 : vector<8x768xf32>
    %add3A_252 = arith.addf %mul3A_250, %mul3A_251 : vector<8x768xf32>
    %tanh3A_253 = math.tanh %add3A_252 : vector<8x768xf32>
    %mul3A_254 = arith.mulf %logistic3A_249, %tanh3A_253 : vector<8x768xf32>
    %swap3A_255 = arith.constant 0 : index
    %swap3A_256 = arith.constant 5 : index
    %swap3A_257 = arith.constant 0 : index
    %swap3A_258 = vector.load %arg3[%swap3A_255, %swap3A_256, %swap3A_257] : memref<8x32x768xf32, #tpu.memory_space<vmem>>, vector<8x1x768xf32>
    %swap3A_259 = vector.shape_cast %swap3A_258 : vector<8x1x768xf32> to vector<8x768xf32>
    %swap3A_260 = vector.shape_cast %mul3A_254 : vector<8x768xf32> to vector<8x1x768xf32>
    tpu.vector_store %arg3[%swap3A_255, %swap3A_256, %swap3A_257], %swap3A_260 {strides = array<i32>} : memref<8x32x768xf32, #tpu.memory_space<vmem>>, vector<8x1x768xf32>,
    %get3A_261 = arith.constant 6 : index
    %get3A_262 = arith.constant 0 : index
    %get3A_263 = arith.constant 0 : index
    %get3A_264 = vector.load %arg1[%get3A_261, %get3A_262, %get3A_263] : memref<32x8x3072xf32, #tpu.memory_space<vmem>>, vector<1x8x3072xf32>
    %get3A_265 = vector.shape_cast %get3A_264 : vector<1x8x3072xf32> to vector<8x3072xf32>
    %convert_element_type3A_266 = arith.truncf %mul3A_254 : vector<8x768xf32> to vector<8x768xbf16>
    %dot_general3A_267 = arith.constant dense<0.000000e+00> : vector<8x3072xf32>
    %dot_general3A_268 = tpu.matmul %convert_element_type3A_266, %get3A_9, %dot_general3A_267 {dimension_numbers = #tpu.dot_dimension_numbers<[1], [0], [0], [1], [0, 0, 1, 1], [], []>, transpose_lhs_hint = false} : vector<8x768xbf16>, vector<768x3072xbf16>, vector<8x3072xf32> -> vector<8x3072xf32>
    %add3A_269 = arith.addf %get3A_265, %dot_general3A_268 : vector<8x3072xf32>
    %slice3A_270 = vector.extract_strided_slice %add3A_269 {offsets = [0, 0], sizes = [8, 768], strides = [1, 1]} : vector<8x3072xf32> to vector<8x768xf32>
    %logistic3A_271 = arith.negf %slice3A_270 : vector<8x768xf32>
    %logistic3A_272 = math.exp %logistic3A_271 : vector<8x768xf32>
    %logistic3A_273 = arith.constant 1.000000e+00 : f32
    %logistic3A_274 = vector.broadcast %logistic3A_273 : f32 to vector<8x768xf32>
    %logistic3A_275 = arith.addf %logistic3A_274, %logistic3A_272 : vector<8x768xf32>
    %logistic3A_276 = arith.divf %logistic3A_274, %logistic3A_275 : vector<8x768xf32>
    %slice3A_277 = vector.extract_strided_slice %add3A_269 {offsets = [0, 768], sizes = [8, 768], strides = [1, 1]} : vector<8x3072xf32> to vector<8x768xf32>
    %logistic3A_278 = arith.negf %slice3A_277 : vector<8x768xf32>
    %logistic3A_279 = math.exp %logistic3A_278 : vector<8x768xf32>
    %logistic3A_280 = arith.constant 1.000000e+00 : f32
    %logistic3A_281 = vector.broadcast %logistic3A_280 : f32 to vector<8x768xf32>
    %logistic3A_282 = arith.addf %logistic3A_281, %logistic3A_279 : vector<8x768xf32>
    %logistic3A_283 = arith.divf %logistic3A_281, %logistic3A_282 : vector<8x768xf32>
    %slice3A_284 = vector.extract_strided_slice %add3A_269 {offsets = [0, 1536], sizes = [8, 768], strides = [1, 1]} : vector<8x3072xf32> to vector<8x768xf32>
    %tanh3A_285 = math.tanh %slice3A_284 : vector<8x768xf32>
    %slice3A_286 = vector.extract_strided_slice %add3A_269 {offsets = [0, 2304], sizes = [8, 768], strides = [1, 1]} : vector<8x3072xf32> to vector<8x768xf32>
    %logistic3A_287 = arith.negf %slice3A_286 : vector<8x768xf32>
    %logistic3A_288 = math.exp %logistic3A_287 : vector<8x768xf32>
    %logistic3A_289 = arith.constant 1.000000e+00 : f32
    %logistic3A_290 = vector.broadcast %logistic3A_289 : f32 to vector<8x768xf32>
    %logistic3A_291 = arith.addf %logistic3A_290, %logistic3A_288 : vector<8x768xf32>
    %logistic3A_292 = arith.divf %logistic3A_290, %logistic3A_291 : vector<8x768xf32>
    %mul3A_293 = arith.mulf %logistic3A_283, %add3A_252 : vector<8x768xf32>
    %mul3A_294 = arith.mulf %logistic3A_276, %tanh3A_285 : vector<8x768xf32>
    %add3A_295 = arith.addf %mul3A_293, %mul3A_294 : vector<8x768xf32>
    %tanh3A_296 = math.tanh %add3A_295 : vector<8x768xf32>
    %mul3A_297 = arith.mulf %logistic3A_292, %tanh3A_296 : vector<8x768xf32>
    %swap3A_298 = arith.constant 0 : index
    %swap3A_299 = arith.constant 6 : index
    %swap3A_300 = arith.constant 0 : index
    %swap3A_301 = vector.load %arg3[%swap3A_298, %swap3A_299, %swap3A_300] : memref<8x32x768xf32, #tpu.memory_space<vmem>>, vector<8x1x768xf32>
    %swap3A_302 = vector.shape_cast %swap3A_301 : vector<8x1x768xf32> to vector<8x768xf32>
    %swap3A_303 = vector.shape_cast %mul3A_297 : vector<8x768xf32> to vector<8x1x768xf32>
    tpu.vector_store %arg3[%swap3A_298, %swap3A_299, %swap3A_300], %swap3A_303 {strides = array<i32>} : memref<8x32x768xf32, #tpu.memory_space<vmem>>, vector<8x1x768xf32>,
    %get3A_304 = arith.constant 7 : index
    %get3A_305 = arith.constant 0 : index
    %get3A_306 = arith.constant 0 : index
    %get3A_307 = vector.load %arg1[%get3A_304, %get3A_305, %get3A_306] : memref<32x8x3072xf32, #tpu.memory_space<vmem>>, vector<1x8x3072xf32>
    %get3A_308 = vector.shape_cast %get3A_307 : vector<1x8x3072xf32> to vector<8x3072xf32>
    %convert_element_type3A_309 = arith.truncf %mul3A_297 : vector<8x768xf32> to vector<8x768xbf16>
    %dot_general3A_310 = arith.constant dense<0.000000e+00> : vector<8x3072xf32>
    %dot_general3A_311 = tpu.matmul %convert_element_type3A_309, %get3A_9, %dot_general3A_310 {dimension_numbers = #tpu.dot_dimension_numbers<[1], [0], [0], [1], [0, 0, 1, 1], [], []>, transpose_lhs_hint = false} : vector<8x768xbf16>, vector<768x3072xbf16>, vector<8x3072xf32> -> vector<8x3072xf32>
    %add3A_312 = arith.addf %get3A_308, %dot_general3A_311 : vector<8x3072xf32>
    %slice3A_313 = vector.extract_strided_slice %add3A_312 {offsets = [0, 0], sizes = [8, 768], strides = [1, 1]} : vector<8x3072xf32> to vector<8x768xf32>
    %logistic3A_314 = arith.negf %slice3A_313 : vector<8x768xf32>
    %logistic3A_315 = math.exp %logistic3A_314 : vector<8x768xf32>
    %logistic3A_316 = arith.constant 1.000000e+00 : f32
    %logistic3A_317 = vector.broadcast %logistic3A_316 : f32 to vector<8x768xf32>
    %logistic3A_318 = arith.addf %logistic3A_317, %logistic3A_315 : vector<8x768xf32>
    %logistic3A_319 = arith.divf %logistic3A_317, %logistic3A_318 : vector<8x768xf32>
    %slice3A_320 = vector.extract_strided_slice %add3A_312 {offsets = [0, 768], sizes = [8, 768], strides = [1, 1]} : vector<8x3072xf32> to vector<8x768xf32>
    %logistic3A_321 = arith.negf %slice3A_320 : vector<8x768xf32>
    %logistic3A_322 = math.exp %logistic3A_321 : vector<8x768xf32>
    %logistic3A_323 = arith.constant 1.000000e+00 : f32
    %logistic3A_324 = vector.broadcast %logistic3A_323 : f32 to vector<8x768xf32>
    %logistic3A_325 = arith.addf %logistic3A_324, %logistic3A_322 : vector<8x768xf32>
    %logistic3A_326 = arith.divf %logistic3A_324, %logistic3A_325 : vector<8x768xf32>
    %slice3A_327 = vector.extract_strided_slice %add3A_312 {offsets = [0, 1536], sizes = [8, 768], strides = [1, 1]} : vector<8x3072xf32> to vector<8x768xf32>
    %tanh3A_328 = math.tanh %slice3A_327 : vector<8x768xf32>
    %slice3A_329 = vector.extract_strided_slice %add3A_312 {offsets = [0, 2304], sizes = [8, 768], strides = [1, 1]} : vector<8x3072xf32> to vector<8x768xf32>
    %logistic3A_330 = arith.negf %slice3A_329 : vector<8x768xf32>
    %logistic3A_331 = math.exp %logistic3A_330 : vector<8x768xf32>
    %logistic3A_332 = arith.constant 1.000000e+00 : f32
    %logistic3A_333 = vector.broadcast %logistic3A_332 : f32 to vector<8x768xf32>
    %logistic3A_334 = arith.addf %logistic3A_333, %logistic3A_331 : vector<8x768xf32>
    %logistic3A_335 = arith.divf %logistic3A_333, %logistic3A_334 : vector<8x768xf32>
    %mul3A_336 = arith.mulf %logistic3A_326, %add3A_295 : vector<8x768xf32>
    %mul3A_337 = arith.mulf %logistic3A_319, %tanh3A_328 : vector<8x768xf32>
    %add3A_338 = arith.addf %mul3A_336, %mul3A_337 : vector<8x768xf32>
    %tanh3A_339 = math.tanh %add3A_338 : vector<8x768xf32>
    %mul3A_340 = arith.mulf %logistic3A_335, %tanh3A_339 : vector<8x768xf32>
    %swap3A_341 = arith.constant 0 : index
    %swap3A_342 = arith.constant 7 : index
    %swap3A_343 = arith.constant 0 : index
    %swap3A_344 = vector.load %arg3[%swap3A_341, %swap3A_342, %swap3A_343] : memref<8x32x768xf32, #tpu.memory_space<vmem>>, vector<8x1x768xf32>
    %swap3A_345 = vector.shape_cast %swap3A_344 : vector<8x1x768xf32> to vector<8x768xf32>
    %swap3A_346 = vector.shape_cast %mul3A_340 : vector<8x768xf32> to vector<8x1x768xf32>
    tpu.vector_store %arg3[%swap3A_341, %swap3A_342, %swap3A_343], %swap3A_346 {strides = array<i32>} : memref<8x32x768xf32, #tpu.memory_space<vmem>>, vector<8x1x768xf32>,
    %get3A_347 = arith.constant 8 : index
    %get3A_348 = arith.constant 0 : index
    %get3A_349 = arith.constant 0 : index
    %get3A_350 = vector.load %arg1[%get3A_347, %get3A_348, %get3A_349] : memref<32x8x3072xf32, #tpu.memory_space<vmem>>, vector<1x8x3072xf32>
    %get3A_351 = vector.shape_cast %get3A_350 : vector<1x8x3072xf32> to vector<8x3072xf32>
    %convert_element_type3A_352 = arith.truncf %mul3A_340 : vector<8x768xf32> to vector<8x768xbf16>
    %dot_general3A_353 = arith.constant dense<0.000000e+00> : vector<8x3072xf32>
    %dot_general3A_354 = tpu.matmul %convert_element_type3A_352, %get3A_9, %dot_general3A_353 {dimension_numbers = #tpu.dot_dimension_numbers<[1], [0], [0], [1], [0, 0, 1, 1], [], []>, transpose_lhs_hint = false} : vector<8x768xbf16>, vector<768x3072xbf16>, vector<8x3072xf32> -> vector<8x3072xf32>
    %add3A_355 = arith.addf %get3A_351, %dot_general3A_354 : vector<8x3072xf32>
    %slice3A_356 = vector.extract_strided_slice %add3A_355 {offsets = [0, 0], sizes = [8, 768], strides = [1, 1]} : vector<8x3072xf32> to vector<8x768xf32>
    %logistic3A_357 = arith.negf %slice3A_356 : vector<8x768xf32>
    %logistic3A_358 = math.exp %logistic3A_357 : vector<8x768xf32>
    %logistic3A_359 = arith.constant 1.000000e+00 : f32
    %logistic3A_360 = vector.broadcast %logistic3A_359 : f32 to vector<8x768xf32>
    %logistic3A_361 = arith.addf %logistic3A_360, %logistic3A_358 : vector<8x768xf32>
    %logistic3A_362 = arith.divf %logistic3A_360, %logistic3A_361 : vector<8x768xf32>
    %slice3A_363 = vector.extract_strided_slice %add3A_355 {offsets = [0, 768], sizes = [8, 768], strides = [1, 1]} : vector<8x3072xf32> to vector<8x768xf32>
    %logistic3A_364 = arith.negf %slice3A_363 : vector<8x768xf32>
    %logistic3A_365 = math.exp %logistic3A_364 : vector<8x768xf32>
    %logistic3A_366 = arith.constant 1.000000e+00 : f32
    %logistic3A_367 = vector.broadcast %logistic3A_366 : f32 to vector<8x768xf32>
    %logistic3A_368 = arith.addf %logistic3A_367, %logistic3A_365 : vector<8x768xf32>
    %logistic3A_369 = arith.divf %logistic3A_367, %logistic3A_368 : vector<8x768xf32>
    %slice3A_370 = vector.extract_strided_slice %add3A_355 {offsets = [0, 1536], sizes = [8, 768], strides = [1, 1]} : vector<8x3072xf32> to vector<8x768xf32>
    %tanh3A_371 = math.tanh %slice3A_370 : vector<8x768xf32>
    %slice3A_372 = vector.extract_strided_slice %add3A_355 {offsets = [0, 2304], sizes = [8, 768], strides = [1, 1]} : vector<8x3072xf32> to vector<8x768xf32>
    %logistic3A_373 = arith.negf %slice3A_372 : vector<8x768xf32>
    %logistic3A_374 = math.exp %logistic3A_373 : vector<8x768xf32>
    %logistic3A_375 = arith.constant 1.000000e+00 : f32
    %logistic3A_376 = vector.broadcast %logistic3A_375 : f32 to vector<8x768xf32>
    %logistic3A_377 = arith.addf %logistic3A_376, %logistic3A_374 : vector<8x768xf32>
    %logistic3A_378 = arith.divf %logistic3A_376, %logistic3A_377 : vector<8x768xf32>
    %mul3A_379 = arith.mulf %logistic3A_369, %add3A_338 : vector<8x768xf32>
    %mul3A_380 = arith.mulf %logistic3A_362, %tanh3A_371 : vector<8x768xf32>
    %add3A_381 = arith.addf %mul3A_379, %mul3A_380 : vector<8x768xf32>
    %tanh3A_382 = math.tanh %add3A_381 : vector<8x768xf32>
    %mul3A_383 = arith.mulf %logistic3A_378, %tanh3A_382 : vector<8x768xf32>
    %swap3A_384 = arith.constant 0 : index
    %swap3A_385 = arith.constant 8 : index
    %swap3A_386 = arith.constant 0 : index
    %swap3A_387 = vector.load %arg3[%swap3A_384, %swap3A_385, %swap3A_386] : memref<8x32x768xf32, #tpu.memory_space<vmem>>, vector<8x1x768xf32>
    %swap3A_388 = vector.shape_cast %swap3A_387 : vector<8x1x768xf32> to vector<8x768xf32>
    %swap3A_389 = vector.shape_cast %mul3A_383 : vector<8x768xf32> to vector<8x1x768xf32>
    tpu.vector_store %arg3[%swap3A_384, %swap3A_385, %swap3A_386], %swap3A_389 {strides = array<i32>} : memref<8x32x768xf32, #tpu.memory_space<vmem>>, vector<8x1x768xf32>,
    %get3A_390 = arith.constant 9 : index
    %get3A_391 = arith.constant 0 : index
    %get3A_392 = arith.constant 0 : index
    %get3A_393 = vector.load %arg1[%get3A_390, %get3A_391, %get3A_392] : memref<32x8x3072xf32, #tpu.memory_space<vmem>>, vector<1x8x3072xf32>
    %get3A_394 = vector.shape_cast %get3A_393 : vector<1x8x3072xf32> to vector<8x3072xf32>
    %convert_element_type3A_395 = arith.truncf %mul3A_383 : vector<8x768xf32> to vector<8x768xbf16>
    %dot_general3A_396 = arith.constant dense<0.000000e+00> : vector<8x3072xf32>
    %dot_general3A_397 = tpu.matmul %convert_element_type3A_395, %get3A_9, %dot_general3A_396 {dimension_numbers = #tpu.dot_dimension_numbers<[1], [0], [0], [1], [0, 0, 1, 1], [], []>, transpose_lhs_hint = false} : vector<8x768xbf16>, vector<768x3072xbf16>, vector<8x3072xf32> -> vector<8x3072xf32>
    %add3A_398 = arith.addf %get3A_394, %dot_general3A_397 : vector<8x3072xf32>
    %slice3A_399 = vector.extract_strided_slice %add3A_398 {offsets = [0, 0], sizes = [8, 768], strides = [1, 1]} : vector<8x3072xf32> to vector<8x768xf32>
    %logistic3A_400 = arith.negf %slice3A_399 : vector<8x768xf32>
    %logistic3A_401 = math.exp %logistic3A_400 : vector<8x768xf32>
    %logistic3A_402 = arith.constant 1.000000e+00 : f32
    %logistic3A_403 = vector.broadcast %logistic3A_402 : f32 to vector<8x768xf32>
    %logistic3A_404 = arith.addf %logistic3A_403, %logistic3A_401 : vector<8x768xf32>
    %logistic3A_405 = arith.divf %logistic3A_403, %logistic3A_404 : vector<8x768xf32>
    %slice3A_406 = vector.extract_strided_slice %add3A_398 {offsets = [0, 768], sizes = [8, 768], strides = [1, 1]} : vector<8x3072xf32> to vector<8x768xf32>
    %logistic3A_407 = arith.negf %slice3A_406 : vector<8x768xf32>
    %logistic3A_408 = math.exp %logistic3A_407 : vector<8x768xf32>
    %logistic3A_409 = arith.constant 1.000000e+00 : f32
    %logistic3A_410 = vector.broadcast %logistic3A_409 : f32 to vector<8x768xf32>
    %logistic3A_411 = arith.addf %logistic3A_410, %logistic3A_408 : vector<8x768xf32>
    %logistic3A_412 = arith.divf %logistic3A_410, %logistic3A_411 : vector<8x768xf32>
    %slice3A_413 = vector.extract_strided_slice %add3A_398 {offsets = [0, 1536], sizes = [8, 768], strides = [1, 1]} : vector<8x3072xf32> to vector<8x768xf32>
    %tanh3A_414 = math.tanh %slice3A_413 : vector<8x768xf32>
    %slice3A_415 = vector.extract_strided_slice %add3A_398 {offsets = [0, 2304], sizes = [8, 768], strides = [1, 1]} : vector<8x3072xf32> to vector<8x768xf32>
    %logistic3A_416 = arith.negf %slice3A_415 : vector<8x768xf32>
    %logistic3A_417 = math.exp %logistic3A_416 : vector<8x768xf32>
    %logistic3A_418 = arith.constant 1.000000e+00 : f32
    %logistic3A_419 = vector.broadcast %logistic3A_418 : f32 to vector<8x768xf32>
    %logistic3A_420 = arith.addf %logistic3A_419, %logistic3A_417 : vector<8x768xf32>
    %logistic3A_421 = arith.divf %logistic3A_419, %logistic3A_420 : vector<8x768xf32>
    %mul3A_422 = arith.mulf %logistic3A_412, %add3A_381 : vector<8x768xf32>
    %mul3A_423 = arith.mulf %logistic3A_405, %tanh3A_414 : vector<8x768xf32>
    %add3A_424 = arith.addf %mul3A_422, %mul3A_423 : vector<8x768xf32>
    %tanh3A_425 = math.tanh %add3A_424 : vector<8x768xf32>
    %mul3A_426 = arith.mulf %logistic3A_421, %tanh3A_425 : vector<8x768xf32>
    %swap3A_427 = arith.constant 0 : index
    %swap3A_428 = arith.constant 9 : index
    %swap3A_429 = arith.constant 0 : index
    %swap3A_430 = vector.load %arg3[%swap3A_427, %swap3A_428, %swap3A_429] : memref<8x32x768xf32, #tpu.memory_space<vmem>>, vector<8x1x768xf32>
    %swap3A_431 = vector.shape_cast %swap3A_430 : vector<8x1x768xf32> to vector<8x768xf32>
    %swap3A_432 = vector.shape_cast %mul3A_426 : vector<8x768xf32> to vector<8x1x768xf32>
    tpu.vector_store %arg3[%swap3A_427, %swap3A_428, %swap3A_429], %swap3A_432 {strides = array<i32>} : memref<8x32x768xf32, #tpu.memory_space<vmem>>, vector<8x1x768xf32>,
    %get3A_433 = arith.constant 10 : index
    %get3A_434 = arith.constant 0 : index
    %get3A_435 = arith.constant 0 : index
    %get3A_436 = vector.load %arg1[%get3A_433, %get3A_434, %get3A_435] : memref<32x8x3072xf32, #tpu.memory_space<vmem>>, vector<1x8x3072xf32>
    %get3A_437 = vector.shape_cast %get3A_436 : vector<1x8x3072xf32> to vector<8x3072xf32>
    %convert_element_type3A_438 = arith.truncf %mul3A_426 : vector<8x768xf32> to vector<8x768xbf16>
    %dot_general3A_439 = arith.constant dense<0.000000e+00> : vector<8x3072xf32>
    %dot_general3A_440 = tpu.matmul %convert_element_type3A_438, %get3A_9, %dot_general3A_439 {dimension_numbers = #tpu.dot_dimension_numbers<[1], [0], [0], [1], [0, 0, 1, 1], [], []>, transpose_lhs_hint = false} : vector<8x768xbf16>, vector<768x3072xbf16>, vector<8x3072xf32> -> vector<8x3072xf32>
    %add3A_441 = arith.addf %get3A_437, %dot_general3A_440 : vector<8x3072xf32>
    %slice3A_442 = vector.extract_strided_slice %add3A_441 {offsets = [0, 0], sizes = [8, 768], strides = [1, 1]} : vector<8x3072xf32> to vector<8x768xf32>
    %logistic3A_443 = arith.negf %slice3A_442 : vector<8x768xf32>
    %logistic3A_444 = math.exp %logistic3A_443 : vector<8x768xf32>
    %logistic3A_445 = arith.constant 1.000000e+00 : f32
    %logistic3A_446 = vector.broadcast %logistic3A_445 : f32 to vector<8x768xf32>
    %logistic3A_447 = arith.addf %logistic3A_446, %logistic3A_444 : vector<8x768xf32>
    %logistic3A_448 = arith.divf %logistic3A_446, %logistic3A_447 : vector<8x768xf32>
    %slice3A_449 = vector.extract_strided_slice %add3A_441 {offsets = [0, 768], sizes = [8, 768], strides = [1, 1]} : vector<8x3072xf32> to vector<8x768xf32>
    %logistic3A_450 = arith.negf %slice3A_449 : vector<8x768xf32>
    %logistic3A_451 = math.exp %logistic3A_450 : vector<8x768xf32>
    %logistic3A_452 = arith.constant 1.000000e+00 : f32
    %logistic3A_453 = vector.broadcast %logistic3A_452 : f32 to vector<8x768xf32>
    %logistic3A_454 = arith.addf %logistic3A_453, %logistic3A_451 : vector<8x768xf32>
    %logistic3A_455 = arith.divf %logistic3A_453, %logistic3A_454 : vector<8x768xf32>
    %slice3A_456 = vector.extract_strided_slice %add3A_441 {offsets = [0, 1536], sizes = [8, 768], strides = [1, 1]} : vector<8x3072xf32> to vector<8x768xf32>
    %tanh3A_457 = math.tanh %slice3A_456 : vector<8x768xf32>
    %slice3A_458 = vector.extract_strided_slice %add3A_441 {offsets = [0, 2304], sizes = [8, 768], strides = [1, 1]} : vector<8x3072xf32> to vector<8x768xf32>
    %logistic3A_459 = arith.negf %slice3A_458 : vector<8x768xf32>
    %logistic3A_460 = math.exp %logistic3A_459 : vector<8x768xf32>
    %logistic3A_461 = arith.constant 1.000000e+00 : f32
    %logistic3A_462 = vector.broadcast %logistic3A_461 : f32 to vector<8x768xf32>
    %logistic3A_463 = arith.addf %logistic3A_462, %logistic3A_460 : vector<8x768xf32>
    %logistic3A_464 = arith.divf %logistic3A_462, %logistic3A_463 : vector<8x768xf32>
    %mul3A_465 = arith.mulf %logistic3A_455, %add3A_424 : vector<8x768xf32>
    %mul3A_466 = arith.mulf %logistic3A_448, %tanh3A_457 : vector<8x768xf32>
    %add3A_467 = arith.addf %mul3A_465, %mul3A_466 : vector<8x768xf32>
    %tanh3A_468 = math.tanh %add3A_467 : vector<8x768xf32>
    %mul3A_469 = arith.mulf %logistic3A_464, %tanh3A_468 : vector<8x768xf32>
    %swap3A_470 = arith.constant 0 : index
    %swap3A_471 = arith.constant 10 : index
    %swap3A_472 = arith.constant 0 : index
    %swap3A_473 = vector.load %arg3[%swap3A_470, %swap3A_471, %swap3A_472] : memref<8x32x768xf32, #tpu.memory_space<vmem>>, vector<8x1x768xf32>
    %swap3A_474 = vector.shape_cast %swap3A_473 : vector<8x1x768xf32> to vector<8x768xf32>
    %swap3A_475 = vector.shape_cast %mul3A_469 : vector<8x768xf32> to vector<8x1x768xf32>
    tpu.vector_store %arg3[%swap3A_470, %swap3A_471, %swap3A_472], %swap3A_475 {strides = array<i32>} : memref<8x32x768xf32, #tpu.memory_space<vmem>>, vector<8x1x768xf32>,
    %get3A_476 = arith.constant 11 : index
    %get3A_477 = arith.constant 0 : index
    %get3A_478 = arith.constant 0 : index
    %get3A_479 = vector.load %arg1[%get3A_476, %get3A_477, %get3A_478] : memref<32x8x3072xf32, #tpu.memory_space<vmem>>, vector<1x8x3072xf32>
    %get3A_480 = vector.shape_cast %get3A_479 : vector<1x8x3072xf32> to vector<8x3072xf32>
    %convert_element_type3A_481 = arith.truncf %mul3A_469 : vector<8x768xf32> to vector<8x768xbf16>
    %dot_general3A_482 = arith.constant dense<0.000000e+00> : vector<8x3072xf32>
    %dot_general3A_483 = tpu.matmul %convert_element_type3A_481, %get3A_9, %dot_general3A_482 {dimension_numbers = #tpu.dot_dimension_numbers<[1], [0], [0], [1], [0, 0, 1, 1], [], []>, transpose_lhs_hint = false} : vector<8x768xbf16>, vector<768x3072xbf16>, vector<8x3072xf32> -> vector<8x3072xf32>
    %add3A_484 = arith.addf %get3A_480, %dot_general3A_483 : vector<8x3072xf32>
    %slice3A_485 = vector.extract_strided_slice %add3A_484 {offsets = [0, 0], sizes = [8, 768], strides = [1, 1]} : vector<8x3072xf32> to vector<8x768xf32>
    %logistic3A_486 = arith.negf %slice3A_485 : vector<8x768xf32>
    %logistic3A_487 = math.exp %logistic3A_486 : vector<8x768xf32>
    %logistic3A_488 = arith.constant 1.000000e+00 : f32
    %logistic3A_489 = vector.broadcast %logistic3A_488 : f32 to vector<8x768xf32>
    %logistic3A_490 = arith.addf %logistic3A_489, %logistic3A_487 : vector<8x768xf32>
    %logistic3A_491 = arith.divf %logistic3A_489, %logistic3A_490 : vector<8x768xf32>
    %slice3A_492 = vector.extract_strided_slice %add3A_484 {offsets = [0, 768], sizes = [8, 768], strides = [1, 1]} : vector<8x3072xf32> to vector<8x768xf32>
    %logistic3A_493 = arith.negf %slice3A_492 : vector<8x768xf32>
    %logistic3A_494 = math.exp %logistic3A_493 : vector<8x768xf32>
    %logistic3A_495 = arith.constant 1.000000e+00 : f32
    %logistic3A_496 = vector.broadcast %logistic3A_495 : f32 to vector<8x768xf32>
    %logistic3A_497 = arith.addf %logistic3A_496, %logistic3A_494 : vector<8x768xf32>
    %logistic3A_498 = arith.divf %logistic3A_496, %logistic3A_497 : vector<8x768xf32>
    %slice3A_499 = vector.extract_strided_slice %add3A_484 {offsets = [0, 1536], sizes = [8, 768], strides = [1, 1]} : vector<8x3072xf32> to vector<8x768xf32>
    %tanh3A_500 = math.tanh %slice3A_499 : vector<8x768xf32>
    %slice3A_501 = vector.extract_strided_slice %add3A_484 {offsets = [0, 2304], sizes = [8, 768], strides = [1, 1]} : vector<8x3072xf32> to vector<8x768xf32>
    %logistic3A_502 = arith.negf %slice3A_501 : vector<8x768xf32>
    %logistic3A_503 = math.exp %logistic3A_502 : vector<8x768xf32>
    %logistic3A_504 = arith.constant 1.000000e+00 : f32
    %logistic3A_505 = vector.broadcast %logistic3A_504 : f32 to vector<8x768xf32>
    %logistic3A_506 = arith.addf %logistic3A_505, %logistic3A_503 : vector<8x768xf32>
    %logistic3A_507 = arith.divf %logistic3A_505, %logistic3A_506 : vector<8x768xf32>
    %mul3A_508 = arith.mulf %logistic3A_498, %add3A_467 : vector<8x768xf32>
    %mul3A_509 = arith.mulf %logistic3A_491, %tanh3A_500 : vector<8x768xf32>
    %add3A_510 = arith.addf %mul3A_508, %mul3A_509 : vector<8x768xf32>
    %tanh3A_511 = math.tanh %add3A_510 : vector<8x768xf32>
    %mul3A_512 = arith.mulf %logistic3A_507, %tanh3A_511 : vector<8x768xf32>
    %swap3A_513 = arith.constant 0 : index
    %swap3A_514 = arith.constant 11 : index
    %swap3A_515 = arith.constant 0 : index
    %swap3A_516 = vector.load %arg3[%swap3A_513, %swap3A_514, %swap3A_515] : memref<8x32x768xf32, #tpu.memory_space<vmem>>, vector<8x1x768xf32>
    %swap3A_517 = vector.shape_cast %swap3A_516 : vector<8x1x768xf32> to vector<8x768xf32>
    %swap3A_518 = vector.shape_cast %mul3A_512 : vector<8x768xf32> to vector<8x1x768xf32>
    tpu.vector_store %arg3[%swap3A_513, %swap3A_514, %swap3A_515], %swap3A_518 {strides = array<i32>} : memref<8x32x768xf32, #tpu.memory_space<vmem>>, vector<8x1x768xf32>,
    %get3A_519 = arith.constant 12 : index
    %get3A_520 = arith.constant 0 : index
    %get3A_521 = arith.constant 0 : index
    %get3A_522 = vector.load %arg1[%get3A_519, %get3A_520, %get3A_521] : memref<32x8x3072xf32, #tpu.memory_space<vmem>>, vector<1x8x3072xf32>
    %get3A_523 = vector.shape_cast %get3A_522 : vector<1x8x3072xf32> to vector<8x3072xf32>
    %convert_element_type3A_524 = arith.truncf %mul3A_512 : vector<8x768xf32> to vector<8x768xbf16>
    %dot_general3A_525 = arith.constant dense<0.000000e+00> : vector<8x3072xf32>
    %dot_general3A_526 = tpu.matmul %convert_element_type3A_524, %get3A_9, %dot_general3A_525 {dimension_numbers = #tpu.dot_dimension_numbers<[1], [0], [0], [1], [0, 0, 1, 1], [], []>, transpose_lhs_hint = false} : vector<8x768xbf16>, vector<768x3072xbf16>, vector<8x3072xf32> -> vector<8x3072xf32>
    %add3A_527 = arith.addf %get3A_523, %dot_general3A_526 : vector<8x3072xf32>
    %slice3A_528 = vector.extract_strided_slice %add3A_527 {offsets = [0, 0], sizes = [8, 768], strides = [1, 1]} : vector<8x3072xf32> to vector<8x768xf32>
    %logistic3A_529 = arith.negf %slice3A_528 : vector<8x768xf32>
    %logistic3A_530 = math.exp %logistic3A_529 : vector<8x768xf32>
    %logistic3A_531 = arith.constant 1.000000e+00 : f32
    %logistic3A_532 = vector.broadcast %logistic3A_531 : f32 to vector<8x768xf32>
    %logistic3A_533 = arith.addf %logistic3A_532, %logistic3A_530 : vector<8x768xf32>
    %logistic3A_534 = arith.divf %logistic3A_532, %logistic3A_533 : vector<8x768xf32>
    %slice3A_535 = vector.extract_strided_slice %add3A_527 {offsets = [0, 768], sizes = [8, 768], strides = [1, 1]} : vector<8x3072xf32> to vector<8x768xf32>
    %logistic3A_536 = arith.negf %slice3A_535 : vector<8x768xf32>
    %logistic3A_537 = math.exp %logistic3A_536 : vector<8x768xf32>
    %logistic3A_538 = arith.constant 1.000000e+00 : f32
    %logistic3A_539 = vector.broadcast %logistic3A_538 : f32 to vector<8x768xf32>
    %logistic3A_540 = arith.addf %logistic3A_539, %logistic3A_537 : vector<8x768xf32>
    %logistic3A_541 = arith.divf %logistic3A_539, %logistic3A_540 : vector<8x768xf32>
    %slice3A_542 = vector.extract_strided_slice %add3A_527 {offsets = [0, 1536], sizes = [8, 768], strides = [1, 1]} : vector<8x3072xf32> to vector<8x768xf32>
    %tanh3A_543 = math.tanh %slice3A_542 : vector<8x768xf32>
    %slice3A_544 = vector.extract_strided_slice %add3A_527 {offsets = [0, 2304], sizes = [8, 768], strides = [1, 1]} : vector<8x3072xf32> to vector<8x768xf32>
    %logistic3A_545 = arith.negf %slice3A_544 : vector<8x768xf32>
    %logistic3A_546 = math.exp %logistic3A_545 : vector<8x768xf32>
    %logistic3A_547 = arith.constant 1.000000e+00 : f32
    %logistic3A_548 = vector.broadcast %logistic3A_547 : f32 to vector<8x768xf32>
    %logistic3A_549 = arith.addf %logistic3A_548, %logistic3A_546 : vector<8x768xf32>
    %logistic3A_550 = arith.divf %logistic3A_548, %logistic3A_549 : vector<8x768xf32>
    %mul3A_551 = arith.mulf %logistic3A_541, %add3A_510 : vector<8x768xf32>
    %mul3A_552 = arith.mulf %logistic3A_534, %tanh3A_543 : vector<8x768xf32>
    %add3A_553 = arith.addf %mul3A_551, %mul3A_552 : vector<8x768xf32>
    %tanh3A_554 = math.tanh %add3A_553 : vector<8x768xf32>
    %mul3A_555 = arith.mulf %logistic3A_550, %tanh3A_554 : vector<8x768xf32>
    %swap3A_556 = arith.constant 0 : index
    %swap3A_557 = arith.constant 12 : index
    %swap3A_558 = arith.constant 0 : index
    %swap3A_559 = vector.load %arg3[%swap3A_556, %swap3A_557, %swap3A_558] : memref<8x32x768xf32, #tpu.memory_space<vmem>>, vector<8x1x768xf32>
    %swap3A_560 = vector.shape_cast %swap3A_559 : vector<8x1x768xf32> to vector<8x768xf32>
    %swap3A_561 = vector.shape_cast %mul3A_555 : vector<8x768xf32> to vector<8x1x768xf32>
    tpu.vector_store %arg3[%swap3A_556, %swap3A_557, %swap3A_558], %swap3A_561 {strides = array<i32>} : memref<8x32x768xf32, #tpu.memory_space<vmem>>, vector<8x1x768xf32>,
    %get3A_562 = arith.constant 13 : index
    %get3A_563 = arith.constant 0 : index
    %get3A_564 = arith.constant 0 : index
    %get3A_565 = vector.load %arg1[%get3A_562, %get3A_563, %get3A_564] : memref<32x8x3072xf32, #tpu.memory_space<vmem>>, vector<1x8x3072xf32>
    %get3A_566 = vector.shape_cast %get3A_565 : vector<1x8x3072xf32> to vector<8x3072xf32>
    %convert_element_type3A_567 = arith.truncf %mul3A_555 : vector<8x768xf32> to vector<8x768xbf16>
    %dot_general3A_568 = arith.constant dense<0.000000e+00> : vector<8x3072xf32>
    %dot_general3A_569 = tpu.matmul %convert_element_type3A_567, %get3A_9, %dot_general3A_568 {dimension_numbers = #tpu.dot_dimension_numbers<[1], [0], [0], [1], [0, 0, 1, 1], [], []>, transpose_lhs_hint = false} : vector<8x768xbf16>, vector<768x3072xbf16>, vector<8x3072xf32> -> vector<8x3072xf32>
    %add3A_570 = arith.addf %get3A_566, %dot_general3A_569 : vector<8x3072xf32>
    %slice3A_571 = vector.extract_strided_slice %add3A_570 {offsets = [0, 0], sizes = [8, 768], strides = [1, 1]} : vector<8x3072xf32> to vector<8x768xf32>
    %logistic3A_572 = arith.negf %slice3A_571 : vector<8x768xf32>
    %logistic3A_573 = math.exp %logistic3A_572 : vector<8x768xf32>
    %logistic3A_574 = arith.constant 1.000000e+00 : f32
    %logistic3A_575 = vector.broadcast %logistic3A_574 : f32 to vector<8x768xf32>
    %logistic3A_576 = arith.addf %logistic3A_575, %logistic3A_573 : vector<8x768xf32>
    %logistic3A_577 = arith.divf %logistic3A_575, %logistic3A_576 : vector<8x768xf32>
    %slice3A_578 = vector.extract_strided_slice %add3A_570 {offsets = [0, 768], sizes = [8, 768], strides = [1, 1]} : vector<8x3072xf32> to vector<8x768xf32>
    %logistic3A_579 = arith.negf %slice3A_578 : vector<8x768xf32>
    %logistic3A_580 = math.exp %logistic3A_579 : vector<8x768xf32>
    %logistic3A_581 = arith.constant 1.000000e+00 : f32
    %logistic3A_582 = vector.broadcast %logistic3A_581 : f32 to vector<8x768xf32>
    %logistic3A_583 = arith.addf %logistic3A_582, %logistic3A_580 : vector<8x768xf32>
    %logistic3A_584 = arith.divf %logistic3A_582, %logistic3A_583 : vector<8x768xf32>
    %slice3A_585 = vector.extract_strided_slice %add3A_570 {offsets = [0, 1536], sizes = [8, 768], strides = [1, 1]} : vector<8x3072xf32> to vector<8x768xf32>
    %tanh3A_586 = math.tanh %slice3A_585 : vector<8x768xf32>
    %slice3A_587 = vector.extract_strided_slice %add3A_570 {offsets = [0, 2304], sizes = [8, 768], strides = [1, 1]} : vector<8x3072xf32> to vector<8x768xf32>
    %logistic3A_588 = arith.negf %slice3A_587 : vector<8x768xf32>
    %logistic3A_589 = math.exp %logistic3A_588 : vector<8x768xf32>
    %logistic3A_590 = arith.constant 1.000000e+00 : f32
    %logistic3A_591 = vector.broadcast %logistic3A_590 : f32 to vector<8x768xf32>
    %logistic3A_592 = arith.addf %logistic3A_591, %logistic3A_589 : vector<8x768xf32>
    %logistic3A_593 = arith.divf %logistic3A_591, %logistic3A_592 : vector<8x768xf32>
    %mul3A_594 = arith.mulf %logistic3A_584, %add3A_553 : vector<8x768xf32>
    %mul3A_595 = arith.mulf %logistic3A_577, %tanh3A_586 : vector<8x768xf32>
    %add3A_596 = arith.addf %mul3A_594, %mul3A_595 : vector<8x768xf32>
    %tanh3A_597 = math.tanh %add3A_596 : vector<8x768xf32>
    %mul3A_598 = arith.mulf %logistic3A_593, %tanh3A_597 : vector<8x768xf32>
    %swap3A_599 = arith.constant 0 : index
    %swap3A_600 = arith.constant 13 : index
    %swap3A_601 = arith.constant 0 : index
    %swap3A_602 = vector.load %arg3[%swap3A_599, %swap3A_600, %swap3A_601] : memref<8x32x768xf32, #tpu.memory_space<vmem>>, vector<8x1x768xf32>
    %swap3A_603 = vector.shape_cast %swap3A_602 : vector<8x1x768xf32> to vector<8x768xf32>
    %swap3A_604 = vector.shape_cast %mul3A_598 : vector<8x768xf32> to vector<8x1x768xf32>
    tpu.vector_store %arg3[%swap3A_599, %swap3A_600, %swap3A_601], %swap3A_604 {strides = array<i32>} : memref<8x32x768xf32, #tpu.memory_space<vmem>>, vector<8x1x768xf32>,
    %get3A_605 = arith.constant 14 : index
    %get3A_606 = arith.constant 0 : index
    %get3A_607 = arith.constant 0 : index
    %get3A_608 = vector.load %arg1[%get3A_605, %get3A_606, %get3A_607] : memref<32x8x3072xf32, #tpu.memory_space<vmem>>, vector<1x8x3072xf32>
    %get3A_609 = vector.shape_cast %get3A_608 : vector<1x8x3072xf32> to vector<8x3072xf32>
    %convert_element_type3A_610 = arith.truncf %mul3A_598 : vector<8x768xf32> to vector<8x768xbf16>
    %dot_general3A_611 = arith.constant dense<0.000000e+00> : vector<8x3072xf32>
    %dot_general3A_612 = tpu.matmul %convert_element_type3A_610, %get3A_9, %dot_general3A_611 {dimension_numbers = #tpu.dot_dimension_numbers<[1], [0], [0], [1], [0, 0, 1, 1], [], []>, transpose_lhs_hint = false} : vector<8x768xbf16>, vector<768x3072xbf16>, vector<8x3072xf32> -> vector<8x3072xf32>
    %add3A_613 = arith.addf %get3A_609, %dot_general3A_612 : vector<8x3072xf32>
    %slice3A_614 = vector.extract_strided_slice %add3A_613 {offsets = [0, 0], sizes = [8, 768], strides = [1, 1]} : vector<8x3072xf32> to vector<8x768xf32>
    %logistic3A_615 = arith.negf %slice3A_614 : vector<8x768xf32>
    %logistic3A_616 = math.exp %logistic3A_615 : vector<8x768xf32>
    %logistic3A_617 = arith.constant 1.000000e+00 : f32
    %logistic3A_618 = vector.broadcast %logistic3A_617 : f32 to vector<8x768xf32>
    %logistic3A_619 = arith.addf %logistic3A_618, %logistic3A_616 : vector<8x768xf32>
    %logistic3A_620 = arith.divf %logistic3A_618, %logistic3A_619 : vector<8x768xf32>
    %slice3A_621 = vector.extract_strided_slice %add3A_613 {offsets = [0, 768], sizes = [8, 768], strides = [1, 1]} : vector<8x3072xf32> to vector<8x768xf32>
    %logistic3A_622 = arith.negf %slice3A_621 : vector<8x768xf32>
    %logistic3A_623 = math.exp %logistic3A_622 : vector<8x768xf32>
    %logistic3A_624 = arith.constant 1.000000e+00 : f32
    %logistic3A_625 = vector.broadcast %logistic3A_624 : f32 to vector<8x768xf32>
    %logistic3A_626 = arith.addf %logistic3A_625, %logistic3A_623 : vector<8x768xf32>
    %logistic3A_627 = arith.divf %logistic3A_625, %logistic3A_626 : vector<8x768xf32>
    %slice3A_628 = vector.extract_strided_slice %add3A_613 {offsets = [0, 1536], sizes = [8, 768], strides = [1, 1]} : vector<8x3072xf32> to vector<8x768xf32>
    %tanh3A_629 = math.tanh %slice3A_628 : vector<8x768xf32>
    %slice3A_630 = vector.extract_strided_slice %add3A_613 {offsets = [0, 2304], sizes = [8, 768], strides = [1, 1]} : vector<8x3072xf32> to vector<8x768xf32>
    %logistic3A_631 = arith.negf %slice3A_630 : vector<8x768xf32>
    %logistic3A_632 = math.exp %logistic3A_631 : vector<8x768xf32>
    %logistic3A_633 = arith.constant 1.000000e+00 : f32
    %logistic3A_634 = vector.broadcast %logistic3A_633 : f32 to vector<8x768xf32>
    %logistic3A_635 = arith.addf %logistic3A_634, %logistic3A_632 : vector<8x768xf32>
    %logistic3A_636 = arith.divf %logistic3A_634, %logistic3A_635 : vector<8x768xf32>
    %mul3A_637 = arith.mulf %logistic3A_627, %add3A_596 : vector<8x768xf32>
    %mul3A_638 = arith.mulf %logistic3A_620, %tanh3A_629 : vector<8x768xf32>
    %add3A_639 = arith.addf %mul3A_637, %mul3A_638 : vector<8x768xf32>
    %tanh3A_640 = math.tanh %add3A_639 : vector<8x768xf32>
    %mul3A_641 = arith.mulf %logistic3A_636, %tanh3A_640 : vector<8x768xf32>
    %swap3A_642 = arith.constant 0 : index
    %swap3A_643 = arith.constant 14 : index
    %swap3A_644 = arith.constant 0 : index
    %swap3A_645 = vector.load %arg3[%swap3A_642, %swap3A_643, %swap3A_644] : memref<8x32x768xf32, #tpu.memory_space<vmem>>, vector<8x1x768xf32>
    %swap3A_646 = vector.shape_cast %swap3A_645 : vector<8x1x768xf32> to vector<8x768xf32>
    %swap3A_647 = vector.shape_cast %mul3A_641 : vector<8x768xf32> to vector<8x1x768xf32>
    tpu.vector_store %arg3[%swap3A_642, %swap3A_643, %swap3A_644], %swap3A_647 {strides = array<i32>} : memref<8x32x768xf32, #tpu.memory_space<vmem>>, vector<8x1x768xf32>,
    %get3A_648 = arith.constant 15 : index
    %get3A_649 = arith.constant 0 : index
    %get3A_650 = arith.constant 0 : index
    %get3A_651 = vector.load %arg1[%get3A_648, %get3A_649, %get3A_650] : memref<32x8x3072xf32, #tpu.memory_space<vmem>>, vector<1x8x3072xf32>
    %get3A_652 = vector.shape_cast %get3A_651 : vector<1x8x3072xf32> to vector<8x3072xf32>
    %convert_element_type3A_653 = arith.truncf %mul3A_641 : vector<8x768xf32> to vector<8x768xbf16>
    %dot_general3A_654 = arith.constant dense<0.000000e+00> : vector<8x3072xf32>
    %dot_general3A_655 = tpu.matmul %convert_element_type3A_653, %get3A_9, %dot_general3A_654 {dimension_numbers = #tpu.dot_dimension_numbers<[1], [0], [0], [1], [0, 0, 1, 1], [], []>, transpose_lhs_hint = false} : vector<8x768xbf16>, vector<768x3072xbf16>, vector<8x3072xf32> -> vector<8x3072xf32>
    %add3A_656 = arith.addf %get3A_652, %dot_general3A_655 : vector<8x3072xf32>
    %slice3A_657 = vector.extract_strided_slice %add3A_656 {offsets = [0, 0], sizes = [8, 768], strides = [1, 1]} : vector<8x3072xf32> to vector<8x768xf32>
    %logistic3A_658 = arith.negf %slice3A_657 : vector<8x768xf32>
    %logistic3A_659 = math.exp %logistic3A_658 : vector<8x768xf32>
    %logistic3A_660 = arith.constant 1.000000e+00 : f32
    %logistic3A_661 = vector.broadcast %logistic3A_660 : f32 to vector<8x768xf32>
    %logistic3A_662 = arith.addf %logistic3A_661, %logistic3A_659 : vector<8x768xf32>
    %logistic3A_663 = arith.divf %logistic3A_661, %logistic3A_662 : vector<8x768xf32>
    %slice3A_664 = vector.extract_strided_slice %add3A_656 {offsets = [0, 768], sizes = [8, 768], strides = [1, 1]} : vector<8x3072xf32> to vector<8x768xf32>
    %logistic3A_665 = arith.negf %slice3A_664 : vector<8x768xf32>
    %logistic3A_666 = math.exp %logistic3A_665 : vector<8x768xf32>
    %logistic3A_667 = arith.constant 1.000000e+00 : f32
    %logistic3A_668 = vector.broadcast %logistic3A_667 : f32 to vector<8x768xf32>
    %logistic3A_669 = arith.addf %logistic3A_668, %logistic3A_666 : vector<8x768xf32>
    %logistic3A_670 = arith.divf %logistic3A_668, %logistic3A_669 : vector<8x768xf32>
    %slice3A_671 = vector.extract_strided_slice %add3A_656 {offsets = [0, 1536], sizes = [8, 768], strides = [1, 1]} : vector<8x3072xf32> to vector<8x768xf32>
    %tanh3A_672 = math.tanh %slice3A_671 : vector<8x768xf32>
    %slice3A_673 = vector.extract_strided_slice %add3A_656 {offsets = [0, 2304], sizes = [8, 768], strides = [1, 1]} : vector<8x3072xf32> to vector<8x768xf32>
    %logistic3A_674 = arith.negf %slice3A_673 : vector<8x768xf32>
    %logistic3A_675 = math.exp %logistic3A_674 : vector<8x768xf32>
    %logistic3A_676 = arith.constant 1.000000e+00 : f32
    %logistic3A_677 = vector.broadcast %logistic3A_676 : f32 to vector<8x768xf32>
    %logistic3A_678 = arith.addf %logistic3A_677, %logistic3A_675 : vector<8x768xf32>
    %logistic3A_679 = arith.divf %logistic3A_677, %logistic3A_678 : vector<8x768xf32>
    %mul3A_680 = arith.mulf %logistic3A_670, %add3A_639 : vector<8x768xf32>
    %mul3A_681 = arith.mulf %logistic3A_663, %tanh3A_672 : vector<8x768xf32>
    %add3A_682 = arith.addf %mul3A_680, %mul3A_681 : vector<8x768xf32>
    %tanh3A_683 = math.tanh %add3A_682 : vector<8x768xf32>
    %mul3A_684 = arith.mulf %logistic3A_679, %tanh3A_683 : vector<8x768xf32>
    %swap3A_685 = arith.constant 0 : index
    %swap3A_686 = arith.constant 15 : index
    %swap3A_687 = arith.constant 0 : index
    %swap3A_688 = vector.load %arg3[%swap3A_685, %swap3A_686, %swap3A_687] : memref<8x32x768xf32, #tpu.memory_space<vmem>>, vector<8x1x768xf32>
    %swap3A_689 = vector.shape_cast %swap3A_688 : vector<8x1x768xf32> to vector<8x768xf32>
    %swap3A_690 = vector.shape_cast %mul3A_684 : vector<8x768xf32> to vector<8x1x768xf32>
    tpu.vector_store %arg3[%swap3A_685, %swap3A_686, %swap3A_687], %swap3A_690 {strides = array<i32>} : memref<8x32x768xf32, #tpu.memory_space<vmem>>, vector<8x1x768xf32>,
    %get3A_691 = arith.constant 16 : index
    %get3A_692 = arith.constant 0 : index
    %get3A_693 = arith.constant 0 : index
    %get3A_694 = vector.load %arg1[%get3A_691, %get3A_692, %get3A_693] : memref<32x8x3072xf32, #tpu.memory_space<vmem>>, vector<1x8x3072xf32>
    %get3A_695 = vector.shape_cast %get3A_694 : vector<1x8x3072xf32> to vector<8x3072xf32>
    %convert_element_type3A_696 = arith.truncf %mul3A_684 : vector<8x768xf32> to vector<8x768xbf16>
    %dot_general3A_697 = arith.constant dense<0.000000e+00> : vector<8x3072xf32>
    %dot_general3A_698 = tpu.matmul %convert_element_type3A_696, %get3A_9, %dot_general3A_697 {dimension_numbers = #tpu.dot_dimension_numbers<[1], [0], [0], [1], [0, 0, 1, 1], [], []>, transpose_lhs_hint = false} : vector<8x768xbf16>, vector<768x3072xbf16>, vector<8x3072xf32> -> vector<8x3072xf32>
    %add3A_699 = arith.addf %get3A_695, %dot_general3A_698 : vector<8x3072xf32>
    %slice3A_700 = vector.extract_strided_slice %add3A_699 {offsets = [0, 0], sizes = [8, 768], strides = [1, 1]} : vector<8x3072xf32> to vector<8x768xf32>
    %logistic3A_701 = arith.negf %slice3A_700 : vector<8x768xf32>
    %logistic3A_702 = math.exp %logistic3A_701 : vector<8x768xf32>
    %logistic3A_703 = arith.constant 1.000000e+00 : f32
    %logistic3A_704 = vector.broadcast %logistic3A_703 : f32 to vector<8x768xf32>
    %logistic3A_705 = arith.addf %logistic3A_704, %logistic3A_702 : vector<8x768xf32>
    %logistic3A_706 = arith.divf %logistic3A_704, %logistic3A_705 : vector<8x768xf32>
    %slice3A_707 = vector.extract_strided_slice %add3A_699 {offsets = [0, 768], sizes = [8, 768], strides = [1, 1]} : vector<8x3072xf32> to vector<8x768xf32>
    %logistic3A_708 = arith.negf %slice3A_707 : vector<8x768xf32>
    %logistic3A_709 = math.exp %logistic3A_708 : vector<8x768xf32>
    %logistic3A_710 = arith.constant 1.000000e+00 : f32
    %logistic3A_711 = vector.broadcast %logistic3A_710 : f32 to vector<8x768xf32>
    %logistic3A_712 = arith.addf %logistic3A_711, %logistic3A_709 : vector<8x768xf32>
    %logistic3A_713 = arith.divf %logistic3A_711, %logistic3A_712 : vector<8x768xf32>
    %slice3A_714 = vector.extract_strided_slice %add3A_699 {offsets = [0, 1536], sizes = [8, 768], strides = [1, 1]} : vector<8x3072xf32> to vector<8x768xf32>
    %tanh3A_715 = math.tanh %slice3A_714 : vector<8x768xf32>
    %slice3A_716 = vector.extract_strided_slice %add3A_699 {offsets = [0, 2304], sizes = [8, 768], strides = [1, 1]} : vector<8x3072xf32> to vector<8x768xf32>
    %logistic3A_717 = arith.negf %slice3A_716 : vector<8x768xf32>
    %logistic3A_718 = math.exp %logistic3A_717 : vector<8x768xf32>
    %logistic3A_719 = arith.constant 1.000000e+00 : f32
    %logistic3A_720 = vector.broadcast %logistic3A_719 : f32 to vector<8x768xf32>
    %logistic3A_721 = arith.addf %logistic3A_720, %logistic3A_718 : vector<8x768xf32>
    %logistic3A_722 = arith.divf %logistic3A_720, %logistic3A_721 : vector<8x768xf32>
    %mul3A_723 = arith.mulf %logistic3A_713, %add3A_682 : vector<8x768xf32>
    %mul3A_724 = arith.mulf %logistic3A_706, %tanh3A_715 : vector<8x768xf32>
    %add3A_725 = arith.addf %mul3A_723, %mul3A_724 : vector<8x768xf32>
    %tanh3A_726 = math.tanh %add3A_725 : vector<8x768xf32>
    %mul3A_727 = arith.mulf %logistic3A_722, %tanh3A_726 : vector<8x768xf32>
    %swap3A_728 = arith.constant 0 : index
    %swap3A_729 = arith.constant 16 : index
    %swap3A_730 = arith.constant 0 : index
    %swap3A_731 = vector.load %arg3[%swap3A_728, %swap3A_729, %swap3A_730] : memref<8x32x768xf32, #tpu.memory_space<vmem>>, vector<8x1x768xf32>
    %swap3A_732 = vector.shape_cast %swap3A_731 : vector<8x1x768xf32> to vector<8x768xf32>
    %swap3A_733 = vector.shape_cast %mul3A_727 : vector<8x768xf32> to vector<8x1x768xf32>
    tpu.vector_store %arg3[%swap3A_728, %swap3A_729, %swap3A_730], %swap3A_733 {strides = array<i32>} : memref<8x32x768xf32, #tpu.memory_space<vmem>>, vector<8x1x768xf32>,
    %get3A_734 = arith.constant 17 : index
    %get3A_735 = arith.constant 0 : index
    %get3A_736 = arith.constant 0 : index
    %get3A_737 = vector.load %arg1[%get3A_734, %get3A_735, %get3A_736] : memref<32x8x3072xf32, #tpu.memory_space<vmem>>, vector<1x8x3072xf32>
    %get3A_738 = vector.shape_cast %get3A_737 : vector<1x8x3072xf32> to vector<8x3072xf32>
    %convert_element_type3A_739 = arith.truncf %mul3A_727 : vector<8x768xf32> to vector<8x768xbf16>
    %dot_general3A_740 = arith.constant dense<0.000000e+00> : vector<8x3072xf32>
    %dot_general3A_741 = tpu.matmul %convert_element_type3A_739, %get3A_9, %dot_general3A_740 {dimension_numbers = #tpu.dot_dimension_numbers<[1], [0], [0], [1], [0, 0, 1, 1], [], []>, transpose_lhs_hint = false} : vector<8x768xbf16>, vector<768x3072xbf16>, vector<8x3072xf32> -> vector<8x3072xf32>
    %add3A_742 = arith.addf %get3A_738, %dot_general3A_741 : vector<8x3072xf32>
    %slice3A_743 = vector.extract_strided_slice %add3A_742 {offsets = [0, 0], sizes = [8, 768], strides = [1, 1]} : vector<8x3072xf32> to vector<8x768xf32>
    %logistic3A_744 = arith.negf %slice3A_743 : vector<8x768xf32>
    %logistic3A_745 = math.exp %logistic3A_744 : vector<8x768xf32>
    %logistic3A_746 = arith.constant 1.000000e+00 : f32
    %logistic3A_747 = vector.broadcast %logistic3A_746 : f32 to vector<8x768xf32>
    %logistic3A_748 = arith.addf %logistic3A_747, %logistic3A_745 : vector<8x768xf32>
    %logistic3A_749 = arith.divf %logistic3A_747, %logistic3A_748 : vector<8x768xf32>
    %slice3A_750 = vector.extract_strided_slice %add3A_742 {offsets = [0, 768], sizes = [8, 768], strides = [1, 1]} : vector<8x3072xf32> to vector<8x768xf32>
    %logistic3A_751 = arith.negf %slice3A_750 : vector<8x768xf32>
    %logistic3A_752 = math.exp %logistic3A_751 : vector<8x768xf32>
    %logistic3A_753 = arith.constant 1.000000e+00 : f32
    %logistic3A_754 = vector.broadcast %logistic3A_753 : f32 to vector<8x768xf32>
    %logistic3A_755 = arith.addf %logistic3A_754, %logistic3A_752 : vector<8x768xf32>
    %logistic3A_756 = arith.divf %logistic3A_754, %logistic3A_755 : vector<8x768xf32>
    %slice3A_757 = vector.extract_strided_slice %add3A_742 {offsets = [0, 1536], sizes = [8, 768], strides = [1, 1]} : vector<8x3072xf32> to vector<8x768xf32>
    %tanh3A_758 = math.tanh %slice3A_757 : vector<8x768xf32>
    %slice3A_759 = vector.extract_strided_slice %add3A_742 {offsets = [0, 2304], sizes = [8, 768], strides = [1, 1]} : vector<8x3072xf32> to vector<8x768xf32>
    %logistic3A_760 = arith.negf %slice3A_759 : vector<8x768xf32>
    %logistic3A_761 = math.exp %logistic3A_760 : vector<8x768xf32>
    %logistic3A_762 = arith.constant 1.000000e+00 : f32
    %logistic3A_763 = vector.broadcast %logistic3A_762 : f32 to vector<8x768xf32>
    %logistic3A_764 = arith.addf %logistic3A_763, %logistic3A_761 : vector<8x768xf32>
    %logistic3A_765 = arith.divf %logistic3A_763, %logistic3A_764 : vector<8x768xf32>
    %mul3A_766 = arith.mulf %logistic3A_756, %add3A_725 : vector<8x768xf32>
    %mul3A_767 = arith.mulf %logistic3A_749, %tanh3A_758 : vector<8x768xf32>
    %add3A_768 = arith.addf %mul3A_766, %mul3A_767 : vector<8x768xf32>
    %tanh3A_769 = math.tanh %add3A_768 : vector<8x768xf32>
    %mul3A_770 = arith.mulf %logistic3A_765, %tanh3A_769 : vector<8x768xf32>
    %swap3A_771 = arith.constant 0 : index
    %swap3A_772 = arith.constant 17 : index
    %swap3A_773 = arith.constant 0 : index
    %swap3A_774 = vector.load %arg3[%swap3A_771, %swap3A_772, %swap3A_773] : memref<8x32x768xf32, #tpu.memory_space<vmem>>, vector<8x1x768xf32>
    %swap3A_775 = vector.shape_cast %swap3A_774 : vector<8x1x768xf32> to vector<8x768xf32>
    %swap3A_776 = vector.shape_cast %mul3A_770 : vector<8x768xf32> to vector<8x1x768xf32>
    tpu.vector_store %arg3[%swap3A_771, %swap3A_772, %swap3A_773], %swap3A_776 {strides = array<i32>} : memref<8x32x768xf32, #tpu.memory_space<vmem>>, vector<8x1x768xf32>,
    %get3A_777 = arith.constant 18 : index
    %get3A_778 = arith.constant 0 : index
    %get3A_779 = arith.constant 0 : index
    %get3A_780 = vector.load %arg1[%get3A_777, %get3A_778, %get3A_779] : memref<32x8x3072xf32, #tpu.memory_space<vmem>>, vector<1x8x3072xf32>
    %get3A_781 = vector.shape_cast %get3A_780 : vector<1x8x3072xf32> to vector<8x3072xf32>
    %convert_element_type3A_782 = arith.truncf %mul3A_770 : vector<8x768xf32> to vector<8x768xbf16>
    %dot_general3A_783 = arith.constant dense<0.000000e+00> : vector<8x3072xf32>
    %dot_general3A_784 = tpu.matmul %convert_element_type3A_782, %get3A_9, %dot_general3A_783 {dimension_numbers = #tpu.dot_dimension_numbers<[1], [0], [0], [1], [0, 0, 1, 1], [], []>, transpose_lhs_hint = false} : vector<8x768xbf16>, vector<768x3072xbf16>, vector<8x3072xf32> -> vector<8x3072xf32>
    %add3A_785 = arith.addf %get3A_781, %dot_general3A_784 : vector<8x3072xf32>
    %slice3A_786 = vector.extract_strided_slice %add3A_785 {offsets = [0, 0], sizes = [8, 768], strides = [1, 1]} : vector<8x3072xf32> to vector<8x768xf32>
    %logistic3A_787 = arith.negf %slice3A_786 : vector<8x768xf32>
    %logistic3A_788 = math.exp %logistic3A_787 : vector<8x768xf32>
    %logistic3A_789 = arith.constant 1.000000e+00 : f32
    %logistic3A_790 = vector.broadcast %logistic3A_789 : f32 to vector<8x768xf32>
    %logistic3A_791 = arith.addf %logistic3A_790, %logistic3A_788 : vector<8x768xf32>
    %logistic3A_792 = arith.divf %logistic3A_790, %logistic3A_791 : vector<8x768xf32>
    %slice3A_793 = vector.extract_strided_slice %add3A_785 {offsets = [0, 768], sizes = [8, 768], strides = [1, 1]} : vector<8x3072xf32> to vector<8x768xf32>
    %logistic3A_794 = arith.negf %slice3A_793 : vector<8x768xf32>
    %logistic3A_795 = math.exp %logistic3A_794 : vector<8x768xf32>
    %logistic3A_796 = arith.constant 1.000000e+00 : f32
    %logistic3A_797 = vector.broadcast %logistic3A_796 : f32 to vector<8x768xf32>
    %logistic3A_798 = arith.addf %logistic3A_797, %logistic3A_795 : vector<8x768xf32>
    %logistic3A_799 = arith.divf %logistic3A_797, %logistic3A_798 : vector<8x768xf32>
    %slice3A_800 = vector.extract_strided_slice %add3A_785 {offsets = [0, 1536], sizes = [8, 768], strides = [1, 1]} : vector<8x3072xf32> to vector<8x768xf32>
    %tanh3A_801 = math.tanh %slice3A_800 : vector<8x768xf32>
    %slice3A_802 = vector.extract_strided_slice %add3A_785 {offsets = [0, 2304], sizes = [8, 768], strides = [1, 1]} : vector<8x3072xf32> to vector<8x768xf32>
    %logistic3A_803 = arith.negf %slice3A_802 : vector<8x768xf32>
    %logistic3A_804 = math.exp %logistic3A_803 : vector<8x768xf32>
    %logistic3A_805 = arith.constant 1.000000e+00 : f32
    %logistic3A_806 = vector.broadcast %logistic3A_805 : f32 to vector<8x768xf32>
    %logistic3A_807 = arith.addf %logistic3A_806, %logistic3A_804 : vector<8x768xf32>
    %logistic3A_808 = arith.divf %logistic3A_806, %logistic3A_807 : vector<8x768xf32>
    %mul3A_809 = arith.mulf %logistic3A_799, %add3A_768 : vector<8x768xf32>
    %mul3A_810 = arith.mulf %logistic3A_792, %tanh3A_801 : vector<8x768xf32>
    %add3A_811 = arith.addf %mul3A_809, %mul3A_810 : vector<8x768xf32>
    %tanh3A_812 = math.tanh %add3A_811 : vector<8x768xf32>
    %mul3A_813 = arith.mulf %logistic3A_808, %tanh3A_812 : vector<8x768xf32>
    %swap3A_814 = arith.constant 0 : index
    %swap3A_815 = arith.constant 18 : index
    %swap3A_816 = arith.constant 0 : index
    %swap3A_817 = vector.load %arg3[%swap3A_814, %swap3A_815, %swap3A_816] : memref<8x32x768xf32, #tpu.memory_space<vmem>>, vector<8x1x768xf32>
    %swap3A_818 = vector.shape_cast %swap3A_817 : vector<8x1x768xf32> to vector<8x768xf32>
    %swap3A_819 = vector.shape_cast %mul3A_813 : vector<8x768xf32> to vector<8x1x768xf32>
    tpu.vector_store %arg3[%swap3A_814, %swap3A_815, %swap3A_816], %swap3A_819 {strides = array<i32>} : memref<8x32x768xf32, #tpu.memory_space<vmem>>, vector<8x1x768xf32>,
    %get3A_820 = arith.constant 19 : index
    %get3A_821 = arith.constant 0 : index
    %get3A_822 = arith.constant 0 : index
    %get3A_823 = vector.load %arg1[%get3A_820, %get3A_821, %get3A_822] : memref<32x8x3072xf32, #tpu.memory_space<vmem>>, vector<1x8x3072xf32>
    %get3A_824 = vector.shape_cast %get3A_823 : vector<1x8x3072xf32> to vector<8x3072xf32>
    %convert_element_type3A_825 = arith.truncf %mul3A_813 : vector<8x768xf32> to vector<8x768xbf16>
    %dot_general3A_826 = arith.constant dense<0.000000e+00> : vector<8x3072xf32>
    %dot_general3A_827 = tpu.matmul %convert_element_type3A_825, %get3A_9, %dot_general3A_826 {dimension_numbers = #tpu.dot_dimension_numbers<[1], [0], [0], [1], [0, 0, 1, 1], [], []>, transpose_lhs_hint = false} : vector<8x768xbf16>, vector<768x3072xbf16>, vector<8x3072xf32> -> vector<8x3072xf32>
    %add3A_828 = arith.addf %get3A_824, %dot_general3A_827 : vector<8x3072xf32>
    %slice3A_829 = vector.extract_strided_slice %add3A_828 {offsets = [0, 0], sizes = [8, 768], strides = [1, 1]} : vector<8x3072xf32> to vector<8x768xf32>
    %logistic3A_830 = arith.negf %slice3A_829 : vector<8x768xf32>
    %logistic3A_831 = math.exp %logistic3A_830 : vector<8x768xf32>
    %logistic3A_832 = arith.constant 1.000000e+00 : f32
    %logistic3A_833 = vector.broadcast %logistic3A_832 : f32 to vector<8x768xf32>
    %logistic3A_834 = arith.addf %logistic3A_833, %logistic3A_831 : vector<8x768xf32>
    %logistic3A_835 = arith.divf %logistic3A_833, %logistic3A_834 : vector<8x768xf32>
    %slice3A_836 = vector.extract_strided_slice %add3A_828 {offsets = [0, 768], sizes = [8, 768], strides = [1, 1]} : vector<8x3072xf32> to vector<8x768xf32>
    %logistic3A_837 = arith.negf %slice3A_836 : vector<8x768xf32>
    %logistic3A_838 = math.exp %logistic3A_837 : vector<8x768xf32>
    %logistic3A_839 = arith.constant 1.000000e+00 : f32
    %logistic3A_840 = vector.broadcast %logistic3A_839 : f32 to vector<8x768xf32>
    %logistic3A_841 = arith.addf %logistic3A_840, %logistic3A_838 : vector<8x768xf32>
    %logistic3A_842 = arith.divf %logistic3A_840, %logistic3A_841 : vector<8x768xf32>
    %slice3A_843 = vector.extract_strided_slice %add3A_828 {offsets = [0, 1536], sizes = [8, 768], strides = [1, 1]} : vector<8x3072xf32> to vector<8x768xf32>
    %tanh3A_844 = math.tanh %slice3A_843 : vector<8x768xf32>
    %slice3A_845 = vector.extract_strided_slice %add3A_828 {offsets = [0, 2304], sizes = [8, 768], strides = [1, 1]} : vector<8x3072xf32> to vector<8x768xf32>
    %logistic3A_846 = arith.negf %slice3A_845 : vector<8x768xf32>
    %logistic3A_847 = math.exp %logistic3A_846 : vector<8x768xf32>
    %logistic3A_848 = arith.constant 1.000000e+00 : f32
    %logistic3A_849 = vector.broadcast %logistic3A_848 : f32 to vector<8x768xf32>
    %logistic3A_850 = arith.addf %logistic3A_849, %logistic3A_847 : vector<8x768xf32>
    %logistic3A_851 = arith.divf %logistic3A_849, %logistic3A_850 : vector<8x768xf32>
    %mul3A_852 = arith.mulf %logistic3A_842, %add3A_811 : vector<8x768xf32>
    %mul3A_853 = arith.mulf %logistic3A_835, %tanh3A_844 : vector<8x768xf32>
    %add3A_854 = arith.addf %mul3A_852, %mul3A_853 : vector<8x768xf32>
    %tanh3A_855 = math.tanh %add3A_854 : vector<8x768xf32>
    %mul3A_856 = arith.mulf %logistic3A_851, %tanh3A_855 : vector<8x768xf32>
    %swap3A_857 = arith.constant 0 : index
    %swap3A_858 = arith.constant 19 : index
    %swap3A_859 = arith.constant 0 : index
    %swap3A_860 = vector.load %arg3[%swap3A_857, %swap3A_858, %swap3A_859] : memref<8x32x768xf32, #tpu.memory_space<vmem>>, vector<8x1x768xf32>
    %swap3A_861 = vector.shape_cast %swap3A_860 : vector<8x1x768xf32> to vector<8x768xf32>
    %swap3A_862 = vector.shape_cast %mul3A_856 : vector<8x768xf32> to vector<8x1x768xf32>
    tpu.vector_store %arg3[%swap3A_857, %swap3A_858, %swap3A_859], %swap3A_862 {strides = array<i32>} : memref<8x32x768xf32, #tpu.memory_space<vmem>>, vector<8x1x768xf32>,
    %get3A_863 = arith.constant 20 : index
    %get3A_864 = arith.constant 0 : index
    %get3A_865 = arith.constant 0 : index
    %get3A_866 = vector.load %arg1[%get3A_863, %get3A_864, %get3A_865] : memref<32x8x3072xf32, #tpu.memory_space<vmem>>, vector<1x8x3072xf32>
    %get3A_867 = vector.shape_cast %get3A_866 : vector<1x8x3072xf32> to vector<8x3072xf32>
    %convert_element_type3A_868 = arith.truncf %mul3A_856 : vector<8x768xf32> to vector<8x768xbf16>
    %dot_general3A_869 = arith.constant dense<0.000000e+00> : vector<8x3072xf32>
    %dot_general3A_870 = tpu.matmul %convert_element_type3A_868, %get3A_9, %dot_general3A_869 {dimension_numbers = #tpu.dot_dimension_numbers<[1], [0], [0], [1], [0, 0, 1, 1], [], []>, transpose_lhs_hint = false} : vector<8x768xbf16>, vector<768x3072xbf16>, vector<8x3072xf32> -> vector<8x3072xf32>
    %add3A_871 = arith.addf %get3A_867, %dot_general3A_870 : vector<8x3072xf32>
    %slice3A_872 = vector.extract_strided_slice %add3A_871 {offsets = [0, 0], sizes = [8, 768], strides = [1, 1]} : vector<8x3072xf32> to vector<8x768xf32>
    %logistic3A_873 = arith.negf %slice3A_872 : vector<8x768xf32>
    %logistic3A_874 = math.exp %logistic3A_873 : vector<8x768xf32>
    %logistic3A_875 = arith.constant 1.000000e+00 : f32
    %logistic3A_876 = vector.broadcast %logistic3A_875 : f32 to vector<8x768xf32>
    %logistic3A_877 = arith.addf %logistic3A_876, %logistic3A_874 : vector<8x768xf32>
    %logistic3A_878 = arith.divf %logistic3A_876, %logistic3A_877 : vector<8x768xf32>
    %slice3A_879 = vector.extract_strided_slice %add3A_871 {offsets = [0, 768], sizes = [8, 768], strides = [1, 1]} : vector<8x3072xf32> to vector<8x768xf32>
    %logistic3A_880 = arith.negf %slice3A_879 : vector<8x768xf32>
    %logistic3A_881 = math.exp %logistic3A_880 : vector<8x768xf32>
    %logistic3A_882 = arith.constant 1.000000e+00 : f32
    %logistic3A_883 = vector.broadcast %logistic3A_882 : f32 to vector<8x768xf32>
    %logistic3A_884 = arith.addf %logistic3A_883, %logistic3A_881 : vector<8x768xf32>
    %logistic3A_885 = arith.divf %logistic3A_883, %logistic3A_884 : vector<8x768xf32>
    %slice3A_886 = vector.extract_strided_slice %add3A_871 {offsets = [0, 1536], sizes = [8, 768], strides = [1, 1]} : vector<8x3072xf32> to vector<8x768xf32>
    %tanh3A_887 = math.tanh %slice3A_886 : vector<8x768xf32>
    %slice3A_888 = vector.extract_strided_slice %add3A_871 {offsets = [0, 2304], sizes = [8, 768], strides = [1, 1]} : vector<8x3072xf32> to vector<8x768xf32>
    %logistic3A_889 = arith.negf %slice3A_888 : vector<8x768xf32>
    %logistic3A_890 = math.exp %logistic3A_889 : vector<8x768xf32>
    %logistic3A_891 = arith.constant 1.000000e+00 : f32
    %logistic3A_892 = vector.broadcast %logistic3A_891 : f32 to vector<8x768xf32>
    %logistic3A_893 = arith.addf %logistic3A_892, %logistic3A_890 : vector<8x768xf32>
    %logistic3A_894 = arith.divf %logistic3A_892, %logistic3A_893 : vector<8x768xf32>
    %mul3A_895 = arith.mulf %logistic3A_885, %add3A_854 : vector<8x768xf32>
    %mul3A_896 = arith.mulf %logistic3A_878, %tanh3A_887 : vector<8x768xf32>
    %add3A_897 = arith.addf %mul3A_895, %mul3A_896 : vector<8x768xf32>
    %tanh3A_898 = math.tanh %add3A_897 : vector<8x768xf32>
    %mul3A_899 = arith.mulf %logistic3A_894, %tanh3A_898 : vector<8x768xf32>
    %swap3A_900 = arith.constant 0 : index
    %swap3A_901 = arith.constant 20 : index
    %swap3A_902 = arith.constant 0 : index
    %swap3A_903 = vector.load %arg3[%swap3A_900, %swap3A_901, %swap3A_902] : memref<8x32x768xf32, #tpu.memory_space<vmem>>, vector<8x1x768xf32>
    %swap3A_904 = vector.shape_cast %swap3A_903 : vector<8x1x768xf32> to vector<8x768xf32>
    %swap3A_905 = vector.shape_cast %mul3A_899 : vector<8x768xf32> to vector<8x1x768xf32>
    tpu.vector_store %arg3[%swap3A_900, %swap3A_901, %swap3A_902], %swap3A_905 {strides = array<i32>} : memref<8x32x768xf32, #tpu.memory_space<vmem>>, vector<8x1x768xf32>,
    %get3A_906 = arith.constant 21 : index
    %get3A_907 = arith.constant 0 : index
    %get3A_908 = arith.constant 0 : index
    %get3A_909 = vector.load %arg1[%get3A_906, %get3A_907, %get3A_908] : memref<32x8x3072xf32, #tpu.memory_space<vmem>>, vector<1x8x3072xf32>
    %get3A_910 = vector.shape_cast %get3A_909 : vector<1x8x3072xf32> to vector<8x3072xf32>
    %convert_element_type3A_911 = arith.truncf %mul3A_899 : vector<8x768xf32> to vector<8x768xbf16>
    %dot_general3A_912 = arith.constant dense<0.000000e+00> : vector<8x3072xf32>
    %dot_general3A_913 = tpu.matmul %convert_element_type3A_911, %get3A_9, %dot_general3A_912 {dimension_numbers = #tpu.dot_dimension_numbers<[1], [0], [0], [1], [0, 0, 1, 1], [], []>, transpose_lhs_hint = false} : vector<8x768xbf16>, vector<768x3072xbf16>, vector<8x3072xf32> -> vector<8x3072xf32>
    %add3A_914 = arith.addf %get3A_910, %dot_general3A_913 : vector<8x3072xf32>
    %slice3A_915 = vector.extract_strided_slice %add3A_914 {offsets = [0, 0], sizes = [8, 768], strides = [1, 1]} : vector<8x3072xf32> to vector<8x768xf32>
    %logistic3A_916 = arith.negf %slice3A_915 : vector<8x768xf32>
    %logistic3A_917 = math.exp %logistic3A_916 : vector<8x768xf32>
    %logistic3A_918 = arith.constant 1.000000e+00 : f32
    %logistic3A_919 = vector.broadcast %logistic3A_918 : f32 to vector<8x768xf32>
    %logistic3A_920 = arith.addf %logistic3A_919, %logistic3A_917 : vector<8x768xf32>
    %logistic3A_921 = arith.divf %logistic3A_919, %logistic3A_920 : vector<8x768xf32>
    %slice3A_922 = vector.extract_strided_slice %add3A_914 {offsets = [0, 768], sizes = [8, 768], strides = [1, 1]} : vector<8x3072xf32> to vector<8x768xf32>
    %logistic3A_923 = arith.negf %slice3A_922 : vector<8x768xf32>
    %logistic3A_924 = math.exp %logistic3A_923 : vector<8x768xf32>
    %logistic3A_925 = arith.constant 1.000000e+00 : f32
    %logistic3A_926 = vector.broadcast %logistic3A_925 : f32 to vector<8x768xf32>
    %logistic3A_927 = arith.addf %logistic3A_926, %logistic3A_924 : vector<8x768xf32>
    %logistic3A_928 = arith.divf %logistic3A_926, %logistic3A_927 : vector<8x768xf32>
    %slice3A_929 = vector.extract_strided_slice %add3A_914 {offsets = [0, 1536], sizes = [8, 768], strides = [1, 1]} : vector<8x3072xf32> to vector<8x768xf32>
    %tanh3A_930 = math.tanh %slice3A_929 : vector<8x768xf32>
    %slice3A_931 = vector.extract_strided_slice %add3A_914 {offsets = [0, 2304], sizes = [8, 768], strides = [1, 1]} : vector<8x3072xf32> to vector<8x768xf32>
    %logistic3A_932 = arith.negf %slice3A_931 : vector<8x768xf32>
    %logistic3A_933 = math.exp %logistic3A_932 : vector<8x768xf32>
    %logistic3A_934 = arith.constant 1.000000e+00 : f32
    %logistic3A_935 = vector.broadcast %logistic3A_934 : f32 to vector<8x768xf32>
    %logistic3A_936 = arith.addf %logistic3A_935, %logistic3A_933 : vector<8x768xf32>
    %logistic3A_937 = arith.divf %logistic3A_935, %logistic3A_936 : vector<8x768xf32>
    %mul3A_938 = arith.mulf %logistic3A_928, %add3A_897 : vector<8x768xf32>
    %mul3A_939 = arith.mulf %logistic3A_921, %tanh3A_930 : vector<8x768xf32>
    %add3A_940 = arith.addf %mul3A_938, %mul3A_939 : vector<8x768xf32>
    %tanh3A_941 = math.tanh %add3A_940 : vector<8x768xf32>
    %mul3A_942 = arith.mulf %logistic3A_937, %tanh3A_941 : vector<8x768xf32>
    %swap3A_943 = arith.constant 0 : index
    %swap3A_944 = arith.constant 21 : index
    %swap3A_945 = arith.constant 0 : index
    %swap3A_946 = vector.load %arg3[%swap3A_943, %swap3A_944, %swap3A_945] : memref<8x32x768xf32, #tpu.memory_space<vmem>>, vector<8x1x768xf32>
    %swap3A_947 = vector.shape_cast %swap3A_946 : vector<8x1x768xf32> to vector<8x768xf32>
    %swap3A_948 = vector.shape_cast %mul3A_942 : vector<8x768xf32> to vector<8x1x768xf32>
    tpu.vector_store %arg3[%swap3A_943, %swap3A_944, %swap3A_945], %swap3A_948 {strides = array<i32>} : memref<8x32x768xf32, #tpu.memory_space<vmem>>, vector<8x1x768xf32>,
    %get3A_949 = arith.constant 22 : index
    %get3A_950 = arith.constant 0 : index
    %get3A_951 = arith.constant 0 : index
    %get3A_952 = vector.load %arg1[%get3A_949, %get3A_950, %get3A_951] : memref<32x8x3072xf32, #tpu.memory_space<vmem>>, vector<1x8x3072xf32>
    %get3A_953 = vector.shape_cast %get3A_952 : vector<1x8x3072xf32> to vector<8x3072xf32>
    %convert_element_type3A_954 = arith.truncf %mul3A_942 : vector<8x768xf32> to vector<8x768xbf16>
    %dot_general3A_955 = arith.constant dense<0.000000e+00> : vector<8x3072xf32>
    %dot_general3A_956 = tpu.matmul %convert_element_type3A_954, %get3A_9, %dot_general3A_955 {dimension_numbers = #tpu.dot_dimension_numbers<[1], [0], [0], [1], [0, 0, 1, 1], [], []>, transpose_lhs_hint = false} : vector<8x768xbf16>, vector<768x3072xbf16>, vector<8x3072xf32> -> vector<8x3072xf32>
    %add3A_957 = arith.addf %get3A_953, %dot_general3A_956 : vector<8x3072xf32>
    %slice3A_958 = vector.extract_strided_slice %add3A_957 {offsets = [0, 0], sizes = [8, 768], strides = [1, 1]} : vector<8x3072xf32> to vector<8x768xf32>
    %logistic3A_959 = arith.negf %slice3A_958 : vector<8x768xf32>
    %logistic3A_960 = math.exp %logistic3A_959 : vector<8x768xf32>
    %logistic3A_961 = arith.constant 1.000000e+00 : f32
    %logistic3A_962 = vector.broadcast %logistic3A_961 : f32 to vector<8x768xf32>
    %logistic3A_963 = arith.addf %logistic3A_962, %logistic3A_960 : vector<8x768xf32>
    %logistic3A_964 = arith.divf %logistic3A_962, %logistic3A_963 : vector<8x768xf32>
    %slice3A_965 = vector.extract_strided_slice %add3A_957 {offsets = [0, 768], sizes = [8, 768], strides = [1, 1]} : vector<8x3072xf32> to vector<8x768xf32>
    %logistic3A_966 = arith.negf %slice3A_965 : vector<8x768xf32>
    %logistic3A_967 = math.exp %logistic3A_966 : vector<8x768xf32>
    %logistic3A_968 = arith.constant 1.000000e+00 : f32
    %logistic3A_969 = vector.broadcast %logistic3A_968 : f32 to vector<8x768xf32>
    %logistic3A_970 = arith.addf %logistic3A_969, %logistic3A_967 : vector<8x768xf32>
    %logistic3A_971 = arith.divf %logistic3A_969, %logistic3A_970 : vector<8x768xf32>
    %slice3A_972 = vector.extract_strided_slice %add3A_957 {offsets = [0, 1536], sizes = [8, 768], strides = [1, 1]} : vector<8x3072xf32> to vector<8x768xf32>
    %tanh3A_973 = math.tanh %slice3A_972 : vector<8x768xf32>
    %slice3A_974 = vector.extract_strided_slice %add3A_957 {offsets = [0, 2304], sizes = [8, 768], strides = [1, 1]} : vector<8x3072xf32> to vector<8x768xf32>
    %logistic3A_975 = arith.negf %slice3A_974 : vector<8x768xf32>
    %logistic3A_976 = math.exp %logistic3A_975 : vector<8x768xf32>
    %logistic3A_977 = arith.constant 1.000000e+00 : f32
    %logistic3A_978 = vector.broadcast %logistic3A_977 : f32 to vector<8x768xf32>
    %logistic3A_979 = arith.addf %logistic3A_978, %logistic3A_976 : vector<8x768xf32>
    %logistic3A_980 = arith.divf %logistic3A_978, %logistic3A_979 : vector<8x768xf32>
    %mul3A_981 = arith.mulf %logistic3A_971, %add3A_940 : vector<8x768xf32>
    %mul3A_982 = arith.mulf %logistic3A_964, %tanh3A_973 : vector<8x768xf32>
    %add3A_983 = arith.addf %mul3A_981, %mul3A_982 : vector<8x768xf32>
    %tanh3A_984 = math.tanh %add3A_983 : vector<8x768xf32>
    %mul3A_985 = arith.mulf %logistic3A_980, %tanh3A_984 : vector<8x768xf32>
    %swap3A_986 = arith.constant 0 : index
    %swap3A_987 = arith.constant 22 : index
    %swap3A_988 = arith.constant 0 : index
    %swap3A_989 = vector.load %arg3[%swap3A_986, %swap3A_987, %swap3A_988] : memref<8x32x768xf32, #tpu.memory_space<vmem>>, vector<8x1x768xf32>
    %swap3A_990 = vector.shape_cast %swap3A_989 : vector<8x1x768xf32> to vector<8x768xf32>
    %swap3A_991 = vector.shape_cast %mul3A_985 : vector<8x768xf32> to vector<8x1x768xf32>
    tpu.vector_store %arg3[%swap3A_986, %swap3A_987, %swap3A_988], %swap3A_991 {strides = array<i32>} : memref<8x32x768xf32, #tpu.memory_space<vmem>>, vector<8x1x768xf32>,
    %get3A_992 = arith.constant 23 : index
    %get3A_993 = arith.constant 0 : index
    %get3A_994 = arith.constant 0 : index
    %get3A_995 = vector.load %arg1[%get3A_992, %get3A_993, %get3A_994] : memref<32x8x3072xf32, #tpu.memory_space<vmem>>, vector<1x8x3072xf32>
    %get3A_996 = vector.shape_cast %get3A_995 : vector<1x8x3072xf32> to vector<8x3072xf32>
    %convert_element_type3A_997 = arith.truncf %mul3A_985 : vector<8x768xf32> to vector<8x768xbf16>
    %dot_general3A_998 = arith.constant dense<0.000000e+00> : vector<8x3072xf32>
    %dot_general3A_999 = tpu.matmul %convert_element_type3A_997, %get3A_9, %dot_general3A_998 {dimension_numbers = #tpu.dot_dimension_numbers<[1], [0], [0], [1], [0, 0, 1, 1], [], []>, transpose_lhs_hint = false} : vector<8x768xbf16>, vector<768x3072xbf16>, vector<8x3072xf32> -> vector<8x3072xf32>
    %add3A_1000 = arith.addf %get3A_996, %dot_general3A_999 : vector<8x3072xf32>
    %slice3A_1001 = vector.extract_strided_slice %add3A_1000 {offsets = [0, 0], sizes = [8, 768], strides = [1, 1]} : vector<8x3072xf32> to vector<8x768xf32>
    %logistic3A_1002 = arith.negf %slice3A_1001 : vector<8x768xf32>
    %logistic3A_1003 = math.exp %logistic3A_1002 : vector<8x768xf32>
    %logistic3A_1004 = arith.constant 1.000000e+00 : f32
    %logistic3A_1005 = vector.broadcast %logistic3A_1004 : f32 to vector<8x768xf32>
    %logistic3A_1006 = arith.addf %logistic3A_1005, %logistic3A_1003 : vector<8x768xf32>
    %logistic3A_1007 = arith.divf %logistic3A_1005, %logistic3A_1006 : vector<8x768xf32>
    %slice3A_1008 = vector.extract_strided_slice %add3A_1000 {offsets = [0, 768], sizes = [8, 768], strides = [1, 1]} : vector<8x3072xf32> to vector<8x768xf32>
    %logistic3A_1009 = arith.negf %slice3A_1008 : vector<8x768xf32>
    %logistic3A_1010 = math.exp %logistic3A_1009 : vector<8x768xf32>
    %logistic3A_1011 = arith.constant 1.000000e+00 : f32
    %logistic3A_1012 = vector.broadcast %logistic3A_1011 : f32 to vector<8x768xf32>
    %logistic3A_1013 = arith.addf %logistic3A_1012, %logistic3A_1010 : vector<8x768xf32>
    %logistic3A_1014 = arith.divf %logistic3A_1012, %logistic3A_1013 : vector<8x768xf32>
    %slice3A_1015 = vector.extract_strided_slice %add3A_1000 {offsets = [0, 1536], sizes = [8, 768], strides = [1, 1]} : vector<8x3072xf32> to vector<8x768xf32>
    %tanh3A_1016 = math.tanh %slice3A_1015 : vector<8x768xf32>
    %slice3A_1017 = vector.extract_strided_slice %add3A_1000 {offsets = [0, 2304], sizes = [8, 768], strides = [1, 1]} : vector<8x3072xf32> to vector<8x768xf32>
    %logistic3A_1018 = arith.negf %slice3A_1017 : vector<8x768xf32>
    %logistic3A_1019 = math.exp %logistic3A_1018 : vector<8x768xf32>
    %logistic3A_1020 = arith.constant 1.000000e+00 : f32
    %logistic3A_1021 = vector.broadcast %logistic3A_1020 : f32 to vector<8x768xf32>
    %logistic3A_1022 = arith.addf %logistic3A_1021, %logistic3A_1019 : vector<8x768xf32>
    %logistic3A_1023 = arith.divf %logistic3A_1021, %logistic3A_1022 : vector<8x768xf32>
    %mul3A_1024 = arith.mulf %logistic3A_1014, %add3A_983 : vector<8x768xf32>
    %mul3A_1025 = arith.mulf %logistic3A_1007, %tanh3A_1016 : vector<8x768xf32>
    %add3A_1026 = arith.addf %mul3A_1024, %mul3A_1025 : vector<8x768xf32>
    %tanh3A_1027 = math.tanh %add3A_1026 : vector<8x768xf32>
    %mul3A_1028 = arith.mulf %logistic3A_1023, %tanh3A_1027 : vector<8x768xf32>
    %swap3A_1029 = arith.constant 0 : index
    %swap3A_1030 = arith.constant 23 : index
    %swap3A_1031 = arith.constant 0 : index
    %swap3A_1032 = vector.load %arg3[%swap3A_1029, %swap3A_1030, %swap3A_1031] : memref<8x32x768xf32, #tpu.memory_space<vmem>>, vector<8x1x768xf32>
    %swap3A_1033 = vector.shape_cast %swap3A_1032 : vector<8x1x768xf32> to vector<8x768xf32>
    %swap3A_1034 = vector.shape_cast %mul3A_1028 : vector<8x768xf32> to vector<8x1x768xf32>
    tpu.vector_store %arg3[%swap3A_1029, %swap3A_1030, %swap3A_1031], %swap3A_1034 {strides = array<i32>} : memref<8x32x768xf32, #tpu.memory_space<vmem>>, vector<8x1x768xf32>,
    %get3A_1035 = arith.constant 24 : index
    %get3A_1036 = arith.constant 0 : index
    %get3A_1037 = arith.constant 0 : index
    %get3A_1038 = vector.load %arg1[%get3A_1035, %get3A_1036, %get3A_1037] : memref<32x8x3072xf32, #tpu.memory_space<vmem>>, vector<1x8x3072xf32>
    %get3A_1039 = vector.shape_cast %get3A_1038 : vector<1x8x3072xf32> to vector<8x3072xf32>
    %convert_element_type3A_1040 = arith.truncf %mul3A_1028 : vector<8x768xf32> to vector<8x768xbf16>
    %dot_general3A_1041 = arith.constant dense<0.000000e+00> : vector<8x3072xf32>
    %dot_general3A_1042 = tpu.matmul %convert_element_type3A_1040, %get3A_9, %dot_general3A_1041 {dimension_numbers = #tpu.dot_dimension_numbers<[1], [0], [0], [1], [0, 0, 1, 1], [], []>, transpose_lhs_hint = false} : vector<8x768xbf16>, vector<768x3072xbf16>, vector<8x3072xf32> -> vector<8x3072xf32>
    %add3A_1043 = arith.addf %get3A_1039, %dot_general3A_1042 : vector<8x3072xf32>
    %slice3A_1044 = vector.extract_strided_slice %add3A_1043 {offsets = [0, 0], sizes = [8, 768], strides = [1, 1]} : vector<8x3072xf32> to vector<8x768xf32>
    %logistic3A_1045 = arith.negf %slice3A_1044 : vector<8x768xf32>
    %logistic3A_1046 = math.exp %logistic3A_1045 : vector<8x768xf32>
    %logistic3A_1047 = arith.constant 1.000000e+00 : f32
    %logistic3A_1048 = vector.broadcast %logistic3A_1047 : f32 to vector<8x768xf32>
    %logistic3A_1049 = arith.addf %logistic3A_1048, %logistic3A_1046 : vector<8x768xf32>
    %logistic3A_1050 = arith.divf %logistic3A_1048, %logistic3A_1049 : vector<8x768xf32>
    %slice3A_1051 = vector.extract_strided_slice %add3A_1043 {offsets = [0, 768], sizes = [8, 768], strides = [1, 1]} : vector<8x3072xf32> to vector<8x768xf32>
    %logistic3A_1052 = arith.negf %slice3A_1051 : vector<8x768xf32>
    %logistic3A_1053 = math.exp %logistic3A_1052 : vector<8x768xf32>
    %logistic3A_1054 = arith.constant 1.000000e+00 : f32
    %logistic3A_1055 = vector.broadcast %logistic3A_1054 : f32 to vector<8x768xf32>
    %logistic3A_1056 = arith.addf %logistic3A_1055, %logistic3A_1053 : vector<8x768xf32>
    %logistic3A_1057 = arith.divf %logistic3A_1055, %logistic3A_1056 : vector<8x768xf32>
    %slice3A_1058 = vector.extract_strided_slice %add3A_1043 {offsets = [0, 1536], sizes = [8, 768], strides = [1, 1]} : vector<8x3072xf32> to vector<8x768xf32>
    %tanh3A_1059 = math.tanh %slice3A_1058 : vector<8x768xf32>
    %slice3A_1060 = vector.extract_strided_slice %add3A_1043 {offsets = [0, 2304], sizes = [8, 768], strides = [1, 1]} : vector<8x3072xf32> to vector<8x768xf32>
    %logistic3A_1061 = arith.negf %slice3A_1060 : vector<8x768xf32>
    %logistic3A_1062 = math.exp %logistic3A_1061 : vector<8x768xf32>
    %logistic3A_1063 = arith.constant 1.000000e+00 : f32
    %logistic3A_1064 = vector.broadcast %logistic3A_1063 : f32 to vector<8x768xf32>
    %logistic3A_1065 = arith.addf %logistic3A_1064, %logistic3A_1062 : vector<8x768xf32>
    %logistic3A_1066 = arith.divf %logistic3A_1064, %logistic3A_1065 : vector<8x768xf32>
    %mul3A_1067 = arith.mulf %logistic3A_1057, %add3A_1026 : vector<8x768xf32>
    %mul3A_1068 = arith.mulf %logistic3A_1050, %tanh3A_1059 : vector<8x768xf32>
    %add3A_1069 = arith.addf %mul3A_1067, %mul3A_1068 : vector<8x768xf32>
    %tanh3A_1070 = math.tanh %add3A_1069 : vector<8x768xf32>
    %mul3A_1071 = arith.mulf %logistic3A_1066, %tanh3A_1070 : vector<8x768xf32>
    %swap3A_1072 = arith.constant 0 : index
    %swap3A_1073 = arith.constant 24 : index
    %swap3A_1074 = arith.constant 0 : index
    %swap3A_1075 = vector.load %arg3[%swap3A_1072, %swap3A_1073, %swap3A_1074] : memref<8x32x768xf32, #tpu.memory_space<vmem>>, vector<8x1x768xf32>
    %swap3A_1076 = vector.shape_cast %swap3A_1075 : vector<8x1x768xf32> to vector<8x768xf32>
    %swap3A_1077 = vector.shape_cast %mul3A_1071 : vector<8x768xf32> to vector<8x1x768xf32>
    tpu.vector_store %arg3[%swap3A_1072, %swap3A_1073, %swap3A_1074], %swap3A_1077 {strides = array<i32>} : memref<8x32x768xf32, #tpu.memory_space<vmem>>, vector<8x1x768xf32>,
    %get3A_1078 = arith.constant 25 : index
    %get3A_1079 = arith.constant 0 : index
    %get3A_1080 = arith.constant 0 : index
    %get3A_1081 = vector.load %arg1[%get3A_1078, %get3A_1079, %get3A_1080] : memref<32x8x3072xf32, #tpu.memory_space<vmem>>, vector<1x8x3072xf32>
    %get3A_1082 = vector.shape_cast %get3A_1081 : vector<1x8x3072xf32> to vector<8x3072xf32>
    %convert_element_type3A_1083 = arith.truncf %mul3A_1071 : vector<8x768xf32> to vector<8x768xbf16>
    %dot_general3A_1084 = arith.constant dense<0.000000e+00> : vector<8x3072xf32>
    %dot_general3A_1085 = tpu.matmul %convert_element_type3A_1083, %get3A_9, %dot_general3A_1084 {dimension_numbers = #tpu.dot_dimension_numbers<[1], [0], [0], [1], [0, 0, 1, 1], [], []>, transpose_lhs_hint = false} : vector<8x768xbf16>, vector<768x3072xbf16>, vector<8x3072xf32> -> vector<8x3072xf32>
    %add3A_1086 = arith.addf %get3A_1082, %dot_general3A_1085 : vector<8x3072xf32>
    %slice3A_1087 = vector.extract_strided_slice %add3A_1086 {offsets = [0, 0], sizes = [8, 768], strides = [1, 1]} : vector<8x3072xf32> to vector<8x768xf32>
    %logistic3A_1088 = arith.negf %slice3A_1087 : vector<8x768xf32>
    %logistic3A_1089 = math.exp %logistic3A_1088 : vector<8x768xf32>
    %logistic3A_1090 = arith.constant 1.000000e+00 : f32
    %logistic3A_1091 = vector.broadcast %logistic3A_1090 : f32 to vector<8x768xf32>
    %logistic3A_1092 = arith.addf %logistic3A_1091, %logistic3A_1089 : vector<8x768xf32>
    %logistic3A_1093 = arith.divf %logistic3A_1091, %logistic3A_1092 : vector<8x768xf32>
    %slice3A_1094 = vector.extract_strided_slice %add3A_1086 {offsets = [0, 768], sizes = [8, 768], strides = [1, 1]} : vector<8x3072xf32> to vector<8x768xf32>
    %logistic3A_1095 = arith.negf %slice3A_1094 : vector<8x768xf32>
    %logistic3A_1096 = math.exp %logistic3A_1095 : vector<8x768xf32>
    %logistic3A_1097 = arith.constant 1.000000e+00 : f32
    %logistic3A_1098 = vector.broadcast %logistic3A_1097 : f32 to vector<8x768xf32>
    %logistic3A_1099 = arith.addf %logistic3A_1098, %logistic3A_1096 : vector<8x768xf32>
    %logistic3A_1100 = arith.divf %logistic3A_1098, %logistic3A_1099 : vector<8x768xf32>
    %slice3A_1101 = vector.extract_strided_slice %add3A_1086 {offsets = [0, 1536], sizes = [8, 768], strides = [1, 1]} : vector<8x3072xf32> to vector<8x768xf32>
    %tanh3A_1102 = math.tanh %slice3A_1101 : vector<8x768xf32>
    %slice3A_1103 = vector.extract_strided_slice %add3A_1086 {offsets = [0, 2304], sizes = [8, 768], strides = [1, 1]} : vector<8x3072xf32> to vector<8x768xf32>
    %logistic3A_1104 = arith.negf %slice3A_1103 : vector<8x768xf32>
    %logistic3A_1105 = math.exp %logistic3A_1104 : vector<8x768xf32>
    %logistic3A_1106 = arith.constant 1.000000e+00 : f32
    %logistic3A_1107 = vector.broadcast %logistic3A_1106 : f32 to vector<8x768xf32>
    %logistic3A_1108 = arith.addf %logistic3A_1107, %logistic3A_1105 : vector<8x768xf32>
    %logistic3A_1109 = arith.divf %logistic3A_1107, %logistic3A_1108 : vector<8x768xf32>
    %mul3A_1110 = arith.mulf %logistic3A_1100, %add3A_1069 : vector<8x768xf32>
    %mul3A_1111 = arith.mulf %logistic3A_1093, %tanh3A_1102 : vector<8x768xf32>
    %add3A_1112 = arith.addf %mul3A_1110, %mul3A_1111 : vector<8x768xf32>
    %tanh3A_1113 = math.tanh %add3A_1112 : vector<8x768xf32>
    %mul3A_1114 = arith.mulf %logistic3A_1109, %tanh3A_1113 : vector<8x768xf32>
    %swap3A_1115 = arith.constant 0 : index
    %swap3A_1116 = arith.constant 25 : index
    %swap3A_1117 = arith.constant 0 : index
    %swap3A_1118 = vector.load %arg3[%swap3A_1115, %swap3A_1116, %swap3A_1117] : memref<8x32x768xf32, #tpu.memory_space<vmem>>, vector<8x1x768xf32>
    %swap3A_1119 = vector.shape_cast %swap3A_1118 : vector<8x1x768xf32> to vector<8x768xf32>
    %swap3A_1120 = vector.shape_cast %mul3A_1114 : vector<8x768xf32> to vector<8x1x768xf32>
    tpu.vector_store %arg3[%swap3A_1115, %swap3A_1116, %swap3A_1117], %swap3A_1120 {strides = array<i32>} : memref<8x32x768xf32, #tpu.memory_space<vmem>>, vector<8x1x768xf32>,
    %get3A_1121 = arith.constant 26 : index
    %get3A_1122 = arith.constant 0 : index
    %get3A_1123 = arith.constant 0 : index
    %get3A_1124 = vector.load %arg1[%get3A_1121, %get3A_1122, %get3A_1123] : memref<32x8x3072xf32, #tpu.memory_space<vmem>>, vector<1x8x3072xf32>
    %get3A_1125 = vector.shape_cast %get3A_1124 : vector<1x8x3072xf32> to vector<8x3072xf32>
    %convert_element_type3A_1126 = arith.truncf %mul3A_1114 : vector<8x768xf32> to vector<8x768xbf16>
    %dot_general3A_1127 = arith.constant dense<0.000000e+00> : vector<8x3072xf32>
    %dot_general3A_1128 = tpu.matmul %convert_element_type3A_1126, %get3A_9, %dot_general3A_1127 {dimension_numbers = #tpu.dot_dimension_numbers<[1], [0], [0], [1], [0, 0, 1, 1], [], []>, transpose_lhs_hint = false} : vector<8x768xbf16>, vector<768x3072xbf16>, vector<8x3072xf32> -> vector<8x3072xf32>
    %add3A_1129 = arith.addf %get3A_1125, %dot_general3A_1128 : vector<8x3072xf32>
    %slice3A_1130 = vector.extract_strided_slice %add3A_1129 {offsets = [0, 0], sizes = [8, 768], strides = [1, 1]} : vector<8x3072xf32> to vector<8x768xf32>
    %logistic3A_1131 = arith.negf %slice3A_1130 : vector<8x768xf32>
    %logistic3A_1132 = math.exp %logistic3A_1131 : vector<8x768xf32>
    %logistic3A_1133 = arith.constant 1.000000e+00 : f32
    %logistic3A_1134 = vector.broadcast %logistic3A_1133 : f32 to vector<8x768xf32>
    %logistic3A_1135 = arith.addf %logistic3A_1134, %logistic3A_1132 : vector<8x768xf32>
    %logistic3A_1136 = arith.divf %logistic3A_1134, %logistic3A_1135 : vector<8x768xf32>
    %slice3A_1137 = vector.extract_strided_slice %add3A_1129 {offsets = [0, 768], sizes = [8, 768], strides = [1, 1]} : vector<8x3072xf32> to vector<8x768xf32>
    %logistic3A_1138 = arith.negf %slice3A_1137 : vector<8x768xf32>
    %logistic3A_1139 = math.exp %logistic3A_1138 : vector<8x768xf32>
    %logistic3A_1140 = arith.constant 1.000000e+00 : f32
    %logistic3A_1141 = vector.broadcast %logistic3A_1140 : f32 to vector<8x768xf32>
    %logistic3A_1142 = arith.addf %logistic3A_1141, %logistic3A_1139 : vector<8x768xf32>
    %logistic3A_1143 = arith.divf %logistic3A_1141, %logistic3A_1142 : vector<8x768xf32>
    %slice3A_1144 = vector.extract_strided_slice %add3A_1129 {offsets = [0, 1536], sizes = [8, 768], strides = [1, 1]} : vector<8x3072xf32> to vector<8x768xf32>
    %tanh3A_1145 = math.tanh %slice3A_1144 : vector<8x768xf32>
    %slice3A_1146 = vector.extract_strided_slice %add3A_1129 {offsets = [0, 2304], sizes = [8, 768], strides = [1, 1]} : vector<8x3072xf32> to vector<8x768xf32>
    %logistic3A_1147 = arith.negf %slice3A_1146 : vector<8x768xf32>
    %logistic3A_1148 = math.exp %logistic3A_1147 : vector<8x768xf32>
    %logistic3A_1149 = arith.constant 1.000000e+00 : f32
    %logistic3A_1150 = vector.broadcast %logistic3A_1149 : f32 to vector<8x768xf32>
    %logistic3A_1151 = arith.addf %logistic3A_1150, %logistic3A_1148 : vector<8x768xf32>
    %logistic3A_1152 = arith.divf %logistic3A_1150, %logistic3A_1151 : vector<8x768xf32>
    %mul3A_1153 = arith.mulf %logistic3A_1143, %add3A_1112 : vector<8x768xf32>
    %mul3A_1154 = arith.mulf %logistic3A_1136, %tanh3A_1145 : vector<8x768xf32>
    %add3A_1155 = arith.addf %mul3A_1153, %mul3A_1154 : vector<8x768xf32>
    %tanh3A_1156 = math.tanh %add3A_1155 : vector<8x768xf32>
    %mul3A_1157 = arith.mulf %logistic3A_1152, %tanh3A_1156 : vector<8x768xf32>
    %swap3A_1158 = arith.constant 0 : index
    %swap3A_1159 = arith.constant 26 : index
    %swap3A_1160 = arith.constant 0 : index
    %swap3A_1161 = vector.load %arg3[%swap3A_1158, %swap3A_1159, %swap3A_1160] : memref<8x32x768xf32, #tpu.memory_space<vmem>>, vector<8x1x768xf32>
    %swap3A_1162 = vector.shape_cast %swap3A_1161 : vector<8x1x768xf32> to vector<8x768xf32>
    %swap3A_1163 = vector.shape_cast %mul3A_1157 : vector<8x768xf32> to vector<8x1x768xf32>
    tpu.vector_store %arg3[%swap3A_1158, %swap3A_1159, %swap3A_1160], %swap3A_1163 {strides = array<i32>} : memref<8x32x768xf32, #tpu.memory_space<vmem>>, vector<8x1x768xf32>,
    %get3A_1164 = arith.constant 27 : index
    %get3A_1165 = arith.constant 0 : index
    %get3A_1166 = arith.constant 0 : index
    %get3A_1167 = vector.load %arg1[%get3A_1164, %get3A_1165, %get3A_1166] : memref<32x8x3072xf32, #tpu.memory_space<vmem>>, vector<1x8x3072xf32>
    %get3A_1168 = vector.shape_cast %get3A_1167 : vector<1x8x3072xf32> to vector<8x3072xf32>
    %convert_element_type3A_1169 = arith.truncf %mul3A_1157 : vector<8x768xf32> to vector<8x768xbf16>
    %dot_general3A_1170 = arith.constant dense<0.000000e+00> : vector<8x3072xf32>
    %dot_general3A_1171 = tpu.matmul %convert_element_type3A_1169, %get3A_9, %dot_general3A_1170 {dimension_numbers = #tpu.dot_dimension_numbers<[1], [0], [0], [1], [0, 0, 1, 1], [], []>, transpose_lhs_hint = false} : vector<8x768xbf16>, vector<768x3072xbf16>, vector<8x3072xf32> -> vector<8x3072xf32>
    %add3A_1172 = arith.addf %get3A_1168, %dot_general3A_1171 : vector<8x3072xf32>
    %slice3A_1173 = vector.extract_strided_slice %add3A_1172 {offsets = [0, 0], sizes = [8, 768], strides = [1, 1]} : vector<8x3072xf32> to vector<8x768xf32>
    %logistic3A_1174 = arith.negf %slice3A_1173 : vector<8x768xf32>
    %logistic3A_1175 = math.exp %logistic3A_1174 : vector<8x768xf32>
    %logistic3A_1176 = arith.constant 1.000000e+00 : f32
    %logistic3A_1177 = vector.broadcast %logistic3A_1176 : f32 to vector<8x768xf32>
    %logistic3A_1178 = arith.addf %logistic3A_1177, %logistic3A_1175 : vector<8x768xf32>
    %logistic3A_1179 = arith.divf %logistic3A_1177, %logistic3A_1178 : vector<8x768xf32>
    %slice3A_1180 = vector.extract_strided_slice %add3A_1172 {offsets = [0, 768], sizes = [8, 768], strides = [1, 1]} : vector<8x3072xf32> to vector<8x768xf32>
    %logistic3A_1181 = arith.negf %slice3A_1180 : vector<8x768xf32>
    %logistic3A_1182 = math.exp %logistic3A_1181 : vector<8x768xf32>
    %logistic3A_1183 = arith.constant 1.000000e+00 : f32
    %logistic3A_1184 = vector.broadcast %logistic3A_1183 : f32 to vector<8x768xf32>
    %logistic3A_1185 = arith.addf %logistic3A_1184, %logistic3A_1182 : vector<8x768xf32>
    %logistic3A_1186 = arith.divf %logistic3A_1184, %logistic3A_1185 : vector<8x768xf32>
    %slice3A_1187 = vector.extract_strided_slice %add3A_1172 {offsets = [0, 1536], sizes = [8, 768], strides = [1, 1]} : vector<8x3072xf32> to vector<8x768xf32>
    %tanh3A_1188 = math.tanh %slice3A_1187 : vector<8x768xf32>
    %slice3A_1189 = vector.extract_strided_slice %add3A_1172 {offsets = [0, 2304], sizes = [8, 768], strides = [1, 1]} : vector<8x3072xf32> to vector<8x768xf32>
    %logistic3A_1190 = arith.negf %slice3A_1189 : vector<8x768xf32>
    %logistic3A_1191 = math.exp %logistic3A_1190 : vector<8x768xf32>
    %logistic3A_1192 = arith.constant 1.000000e+00 : f32
    %logistic3A_1193 = vector.broadcast %logistic3A_1192 : f32 to vector<8x768xf32>
    %logistic3A_1194 = arith.addf %logistic3A_1193, %logistic3A_1191 : vector<8x768xf32>
    %logistic3A_1195 = arith.divf %logistic3A_1193, %logistic3A_1194 : vector<8x768xf32>
    %mul3A_1196 = arith.mulf %logistic3A_1186, %add3A_1155 : vector<8x768xf32>
    %mul3A_1197 = arith.mulf %logistic3A_1179, %tanh3A_1188 : vector<8x768xf32>
    %add3A_1198 = arith.addf %mul3A_1196, %mul3A_1197 : vector<8x768xf32>
    %tanh3A_1199 = math.tanh %add3A_1198 : vector<8x768xf32>
    %mul3A_1200 = arith.mulf %logistic3A_1195, %tanh3A_1199 : vector<8x768xf32>
    %swap3A_1201 = arith.constant 0 : index
    %swap3A_1202 = arith.constant 27 : index
    %swap3A_1203 = arith.constant 0 : index
    %swap3A_1204 = vector.load %arg3[%swap3A_1201, %swap3A_1202, %swap3A_1203] : memref<8x32x768xf32, #tpu.memory_space<vmem>>, vector<8x1x768xf32>
    %swap3A_1205 = vector.shape_cast %swap3A_1204 : vector<8x1x768xf32> to vector<8x768xf32>
    %swap3A_1206 = vector.shape_cast %mul3A_1200 : vector<8x768xf32> to vector<8x1x768xf32>
    tpu.vector_store %arg3[%swap3A_1201, %swap3A_1202, %swap3A_1203], %swap3A_1206 {strides = array<i32>} : memref<8x32x768xf32, #tpu.memory_space<vmem>>, vector<8x1x768xf32>,
    %get3A_1207 = arith.constant 28 : index
    %get3A_1208 = arith.constant 0 : index
    %get3A_1209 = arith.constant 0 : index
    %get3A_1210 = vector.load %arg1[%get3A_1207, %get3A_1208, %get3A_1209] : memref<32x8x3072xf32, #tpu.memory_space<vmem>>, vector<1x8x3072xf32>
    %get3A_1211 = vector.shape_cast %get3A_1210 : vector<1x8x3072xf32> to vector<8x3072xf32>
    %convert_element_type3A_1212 = arith.truncf %mul3A_1200 : vector<8x768xf32> to vector<8x768xbf16>
    %dot_general3A_1213 = arith.constant dense<0.000000e+00> : vector<8x3072xf32>
    %dot_general3A_1214 = tpu.matmul %convert_element_type3A_1212, %get3A_9, %dot_general3A_1213 {dimension_numbers = #tpu.dot_dimension_numbers<[1], [0], [0], [1], [0, 0, 1, 1], [], []>, transpose_lhs_hint = false} : vector<8x768xbf16>, vector<768x3072xbf16>, vector<8x3072xf32> -> vector<8x3072xf32>
    %add3A_1215 = arith.addf %get3A_1211, %dot_general3A_1214 : vector<8x3072xf32>
    %slice3A_1216 = vector.extract_strided_slice %add3A_1215 {offsets = [0, 0], sizes = [8, 768], strides = [1, 1]} : vector<8x3072xf32> to vector<8x768xf32>
    %logistic3A_1217 = arith.negf %slice3A_1216 : vector<8x768xf32>
    %logistic3A_1218 = math.exp %logistic3A_1217 : vector<8x768xf32>
    %logistic3A_1219 = arith.constant 1.000000e+00 : f32
    %logistic3A_1220 = vector.broadcast %logistic3A_1219 : f32 to vector<8x768xf32>
    %logistic3A_1221 = arith.addf %logistic3A_1220, %logistic3A_1218 : vector<8x768xf32>
    %logistic3A_1222 = arith.divf %logistic3A_1220, %logistic3A_1221 : vector<8x768xf32>
    %slice3A_1223 = vector.extract_strided_slice %add3A_1215 {offsets = [0, 768], sizes = [8, 768], strides = [1, 1]} : vector<8x3072xf32> to vector<8x768xf32>
    %logistic3A_1224 = arith.negf %slice3A_1223 : vector<8x768xf32>
    %logistic3A_1225 = math.exp %logistic3A_1224 : vector<8x768xf32>
    %logistic3A_1226 = arith.constant 1.000000e+00 : f32
    %logistic3A_1227 = vector.broadcast %logistic3A_1226 : f32 to vector<8x768xf32>
    %logistic3A_1228 = arith.addf %logistic3A_1227, %logistic3A_1225 : vector<8x768xf32>
    %logistic3A_1229 = arith.divf %logistic3A_1227, %logistic3A_1228 : vector<8x768xf32>
    %slice3A_1230 = vector.extract_strided_slice %add3A_1215 {offsets = [0, 1536], sizes = [8, 768], strides = [1, 1]} : vector<8x3072xf32> to vector<8x768xf32>
    %tanh3A_1231 = math.tanh %slice3A_1230 : vector<8x768xf32>
    %slice3A_1232 = vector.extract_strided_slice %add3A_1215 {offsets = [0, 2304], sizes = [8, 768], strides = [1, 1]} : vector<8x3072xf32> to vector<8x768xf32>
    %logistic3A_1233 = arith.negf %slice3A_1232 : vector<8x768xf32>
    %logistic3A_1234 = math.exp %logistic3A_1233 : vector<8x768xf32>
    %logistic3A_1235 = arith.constant 1.000000e+00 : f32
    %logistic3A_1236 = vector.broadcast %logistic3A_1235 : f32 to vector<8x768xf32>
    %logistic3A_1237 = arith.addf %logistic3A_1236, %logistic3A_1234 : vector<8x768xf32>
    %logistic3A_1238 = arith.divf %logistic3A_1236, %logistic3A_1237 : vector<8x768xf32>
    %mul3A_1239 = arith.mulf %logistic3A_1229, %add3A_1198 : vector<8x768xf32>
    %mul3A_1240 = arith.mulf %logistic3A_1222, %tanh3A_1231 : vector<8x768xf32>
    %add3A_1241 = arith.addf %mul3A_1239, %mul3A_1240 : vector<8x768xf32>
    %tanh3A_1242 = math.tanh %add3A_1241 : vector<8x768xf32>
    %mul3A_1243 = arith.mulf %logistic3A_1238, %tanh3A_1242 : vector<8x768xf32>
    %swap3A_1244 = arith.constant 0 : index
    %swap3A_1245 = arith.constant 28 : index
    %swap3A_1246 = arith.constant 0 : index
    %swap3A_1247 = vector.load %arg3[%swap3A_1244, %swap3A_1245, %swap3A_1246] : memref<8x32x768xf32, #tpu.memory_space<vmem>>, vector<8x1x768xf32>
    %swap3A_1248 = vector.shape_cast %swap3A_1247 : vector<8x1x768xf32> to vector<8x768xf32>
    %swap3A_1249 = vector.shape_cast %mul3A_1243 : vector<8x768xf32> to vector<8x1x768xf32>
    tpu.vector_store %arg3[%swap3A_1244, %swap3A_1245, %swap3A_1246], %swap3A_1249 {strides = array<i32>} : memref<8x32x768xf32, #tpu.memory_space<vmem>>, vector<8x1x768xf32>,
    %get3A_1250 = arith.constant 29 : index
    %get3A_1251 = arith.constant 0 : index
    %get3A_1252 = arith.constant 0 : index
    %get3A_1253 = vector.load %arg1[%get3A_1250, %get3A_1251, %get3A_1252] : memref<32x8x3072xf32, #tpu.memory_space<vmem>>, vector<1x8x3072xf32>
    %get3A_1254 = vector.shape_cast %get3A_1253 : vector<1x8x3072xf32> to vector<8x3072xf32>
    %convert_element_type3A_1255 = arith.truncf %mul3A_1243 : vector<8x768xf32> to vector<8x768xbf16>
    %dot_general3A_1256 = arith.constant dense<0.000000e+00> : vector<8x3072xf32>
    %dot_general3A_1257 = tpu.matmul %convert_element_type3A_1255, %get3A_9, %dot_general3A_1256 {dimension_numbers = #tpu.dot_dimension_numbers<[1], [0], [0], [1], [0, 0, 1, 1], [], []>, transpose_lhs_hint = false} : vector<8x768xbf16>, vector<768x3072xbf16>, vector<8x3072xf32> -> vector<8x3072xf32>
    %add3A_1258 = arith.addf %get3A_1254, %dot_general3A_1257 : vector<8x3072xf32>
    %slice3A_1259 = vector.extract_strided_slice %add3A_1258 {offsets = [0, 0], sizes = [8, 768], strides = [1, 1]} : vector<8x3072xf32> to vector<8x768xf32>
    %logistic3A_1260 = arith.negf %slice3A_1259 : vector<8x768xf32>
    %logistic3A_1261 = math.exp %logistic3A_1260 : vector<8x768xf32>
    %logistic3A_1262 = arith.constant 1.000000e+00 : f32
    %logistic3A_1263 = vector.broadcast %logistic3A_1262 : f32 to vector<8x768xf32>
    %logistic3A_1264 = arith.addf %logistic3A_1263, %logistic3A_1261 : vector<8x768xf32>
    %logistic3A_1265 = arith.divf %logistic3A_1263, %logistic3A_1264 : vector<8x768xf32>
    %slice3A_1266 = vector.extract_strided_slice %add3A_1258 {offsets = [0, 768], sizes = [8, 768], strides = [1, 1]} : vector<8x3072xf32> to vector<8x768xf32>
    %logistic3A_1267 = arith.negf %slice3A_1266 : vector<8x768xf32>
    %logistic3A_1268 = math.exp %logistic3A_1267 : vector<8x768xf32>
    %logistic3A_1269 = arith.constant 1.000000e+00 : f32
    %logistic3A_1270 = vector.broadcast %logistic3A_1269 : f32 to vector<8x768xf32>
    %logistic3A_1271 = arith.addf %logistic3A_1270, %logistic3A_1268 : vector<8x768xf32>
    %logistic3A_1272 = arith.divf %logistic3A_1270, %logistic3A_1271 : vector<8x768xf32>
    %slice3A_1273 = vector.extract_strided_slice %add3A_1258 {offsets = [0, 1536], sizes = [8, 768], strides = [1, 1]} : vector<8x3072xf32> to vector<8x768xf32>
    %tanh3A_1274 = math.tanh %slice3A_1273 : vector<8x768xf32>
    %slice3A_1275 = vector.extract_strided_slice %add3A_1258 {offsets = [0, 2304], sizes = [8, 768], strides = [1, 1]} : vector<8x3072xf32> to vector<8x768xf32>
    %logistic3A_1276 = arith.negf %slice3A_1275 : vector<8x768xf32>
    %logistic3A_1277 = math.exp %logistic3A_1276 : vector<8x768xf32>
    %logistic3A_1278 = arith.constant 1.000000e+00 : f32
    %logistic3A_1279 = vector.broadcast %logistic3A_1278 : f32 to vector<8x768xf32>
    %logistic3A_1280 = arith.addf %logistic3A_1279, %logistic3A_1277 : vector<8x768xf32>
    %logistic3A_1281 = arith.divf %logistic3A_1279, %logistic3A_1280 : vector<8x768xf32>
    %mul3A_1282 = arith.mulf %logistic3A_1272, %add3A_1241 : vector<8x768xf32>
    %mul3A_1283 = arith.mulf %logistic3A_1265, %tanh3A_1274 : vector<8x768xf32>
    %add3A_1284 = arith.addf %mul3A_1282, %mul3A_1283 : vector<8x768xf32>
    %tanh3A_1285 = math.tanh %add3A_1284 : vector<8x768xf32>
    %mul3A_1286 = arith.mulf %logistic3A_1281, %tanh3A_1285 : vector<8x768xf32>
    %swap3A_1287 = arith.constant 0 : index
    %swap3A_1288 = arith.constant 29 : index
    %swap3A_1289 = arith.constant 0 : index
    %swap3A_1290 = vector.load %arg3[%swap3A_1287, %swap3A_1288, %swap3A_1289] : memref<8x32x768xf32, #tpu.memory_space<vmem>>, vector<8x1x768xf32>
    %swap3A_1291 = vector.shape_cast %swap3A_1290 : vector<8x1x768xf32> to vector<8x768xf32>
    %swap3A_1292 = vector.shape_cast %mul3A_1286 : vector<8x768xf32> to vector<8x1x768xf32>
    tpu.vector_store %arg3[%swap3A_1287, %swap3A_1288, %swap3A_1289], %swap3A_1292 {strides = array<i32>} : memref<8x32x768xf32, #tpu.memory_space<vmem>>, vector<8x1x768xf32>,
    %get3A_1293 = arith.constant 30 : index
    %get3A_1294 = arith.constant 0 : index
    %get3A_1295 = arith.constant 0 : index
    %get3A_1296 = vector.load %arg1[%get3A_1293, %get3A_1294, %get3A_1295] : memref<32x8x3072xf32, #tpu.memory_space<vmem>>, vector<1x8x3072xf32>
    %get3A_1297 = vector.shape_cast %get3A_1296 : vector<1x8x3072xf32> to vector<8x3072xf32>
    %convert_element_type3A_1298 = arith.truncf %mul3A_1286 : vector<8x768xf32> to vector<8x768xbf16>
    %dot_general3A_1299 = arith.constant dense<0.000000e+00> : vector<8x3072xf32>
    %dot_general3A_1300 = tpu.matmul %convert_element_type3A_1298, %get3A_9, %dot_general3A_1299 {dimension_numbers = #tpu.dot_dimension_numbers<[1], [0], [0], [1], [0, 0, 1, 1], [], []>, transpose_lhs_hint = false} : vector<8x768xbf16>, vector<768x3072xbf16>, vector<8x3072xf32> -> vector<8x3072xf32>
    %add3A_1301 = arith.addf %get3A_1297, %dot_general3A_1300 : vector<8x3072xf32>
    %slice3A_1302 = vector.extract_strided_slice %add3A_1301 {offsets = [0, 0], sizes = [8, 768], strides = [1, 1]} : vector<8x3072xf32> to vector<8x768xf32>
    %logistic3A_1303 = arith.negf %slice3A_1302 : vector<8x768xf32>
    %logistic3A_1304 = math.exp %logistic3A_1303 : vector<8x768xf32>
    %logistic3A_1305 = arith.constant 1.000000e+00 : f32
    %logistic3A_1306 = vector.broadcast %logistic3A_1305 : f32 to vector<8x768xf32>
    %logistic3A_1307 = arith.addf %logistic3A_1306, %logistic3A_1304 : vector<8x768xf32>
    %logistic3A_1308 = arith.divf %logistic3A_1306, %logistic3A_1307 : vector<8x768xf32>
    %slice3A_1309 = vector.extract_strided_slice %add3A_1301 {offsets = [0, 768], sizes = [8, 768], strides = [1, 1]} : vector<8x3072xf32> to vector<8x768xf32>
    %logistic3A_1310 = arith.negf %slice3A_1309 : vector<8x768xf32>
    %logistic3A_1311 = math.exp %logistic3A_1310 : vector<8x768xf32>
    %logistic3A_1312 = arith.constant 1.000000e+00 : f32
    %logistic3A_1313 = vector.broadcast %logistic3A_1312 : f32 to vector<8x768xf32>
    %logistic3A_1314 = arith.addf %logistic3A_1313, %logistic3A_1311 : vector<8x768xf32>
    %logistic3A_1315 = arith.divf %logistic3A_1313, %logistic3A_1314 : vector<8x768xf32>
    %slice3A_1316 = vector.extract_strided_slice %add3A_1301 {offsets = [0, 1536], sizes = [8, 768], strides = [1, 1]} : vector<8x3072xf32> to vector<8x768xf32>
    %tanh3A_1317 = math.tanh %slice3A_1316 : vector<8x768xf32>
    %slice3A_1318 = vector.extract_strided_slice %add3A_1301 {offsets = [0, 2304], sizes = [8, 768], strides = [1, 1]} : vector<8x3072xf32> to vector<8x768xf32>
    %logistic3A_1319 = arith.negf %slice3A_1318 : vector<8x768xf32>
    %logistic3A_1320 = math.exp %logistic3A_1319 : vector<8x768xf32>
    %logistic3A_1321 = arith.constant 1.000000e+00 : f32
    %logistic3A_1322 = vector.broadcast %logistic3A_1321 : f32 to vector<8x768xf32>
    %logistic3A_1323 = arith.addf %logistic3A_1322, %logistic3A_1320 : vector<8x768xf32>
    %logistic3A_1324 = arith.divf %logistic3A_1322, %logistic3A_1323 : vector<8x768xf32>
    %mul3A_1325 = arith.mulf %logistic3A_1315, %add3A_1284 : vector<8x768xf32>
    %mul3A_1326 = arith.mulf %logistic3A_1308, %tanh3A_1317 : vector<8x768xf32>
    %add3A_1327 = arith.addf %mul3A_1325, %mul3A_1326 : vector<8x768xf32>
    %tanh3A_1328 = math.tanh %add3A_1327 : vector<8x768xf32>
    %mul3A_1329 = arith.mulf %logistic3A_1324, %tanh3A_1328 : vector<8x768xf32>
    %swap3A_1330 = arith.constant 0 : index
    %swap3A_1331 = arith.constant 30 : index
    %swap3A_1332 = arith.constant 0 : index
    %swap3A_1333 = vector.load %arg3[%swap3A_1330, %swap3A_1331, %swap3A_1332] : memref<8x32x768xf32, #tpu.memory_space<vmem>>, vector<8x1x768xf32>
    %swap3A_1334 = vector.shape_cast %swap3A_1333 : vector<8x1x768xf32> to vector<8x768xf32>
    %swap3A_1335 = vector.shape_cast %mul3A_1329 : vector<8x768xf32> to vector<8x1x768xf32>
    tpu.vector_store %arg3[%swap3A_1330, %swap3A_1331, %swap3A_1332], %swap3A_1335 {strides = array<i32>} : memref<8x32x768xf32, #tpu.memory_space<vmem>>, vector<8x1x768xf32>,
    %get3A_1336 = arith.constant 31 : index
    %get3A_1337 = arith.constant 0 : index
    %get3A_1338 = arith.constant 0 : index
    %get3A_1339 = vector.load %arg1[%get3A_1336, %get3A_1337, %get3A_1338] : memref<32x8x3072xf32, #tpu.memory_space<vmem>>, vector<1x8x3072xf32>
    %get3A_1340 = vector.shape_cast %get3A_1339 : vector<1x8x3072xf32> to vector<8x3072xf32>
    %convert_element_type3A_1341 = arith.truncf %mul3A_1329 : vector<8x768xf32> to vector<8x768xbf16>
    %dot_general3A_1342 = arith.constant dense<0.000000e+00> : vector<8x3072xf32>
    %dot_general3A_1343 = tpu.matmul %convert_element_type3A_1341, %get3A_9, %dot_general3A_1342 {dimension_numbers = #tpu.dot_dimension_numbers<[1], [0], [0], [1], [0, 0, 1, 1], [], []>, transpose_lhs_hint = false} : vector<8x768xbf16>, vector<768x3072xbf16>, vector<8x3072xf32> -> vector<8x3072xf32>
    %add3A_1344 = arith.addf %get3A_1340, %dot_general3A_1343 : vector<8x3072xf32>
    %slice3A_1345 = vector.extract_strided_slice %add3A_1344 {offsets = [0, 0], sizes = [8, 768], strides = [1, 1]} : vector<8x3072xf32> to vector<8x768xf32>
    %logistic3A_1346 = arith.negf %slice3A_1345 : vector<8x768xf32>
    %logistic3A_1347 = math.exp %logistic3A_1346 : vector<8x768xf32>
    %logistic3A_1348 = arith.constant 1.000000e+00 : f32
    %logistic3A_1349 = vector.broadcast %logistic3A_1348 : f32 to vector<8x768xf32>
    %logistic3A_1350 = arith.addf %logistic3A_1349, %logistic3A_1347 : vector<8x768xf32>
    %logistic3A_1351 = arith.divf %logistic3A_1349, %logistic3A_1350 : vector<8x768xf32>
    %slice3A_1352 = vector.extract_strided_slice %add3A_1344 {offsets = [0, 768], sizes = [8, 768], strides = [1, 1]} : vector<8x3072xf32> to vector<8x768xf32>
    %logistic3A_1353 = arith.negf %slice3A_1352 : vector<8x768xf32>
    %logistic3A_1354 = math.exp %logistic3A_1353 : vector<8x768xf32>
    %logistic3A_1355 = arith.constant 1.000000e+00 : f32
    %logistic3A_1356 = vector.broadcast %logistic3A_1355 : f32 to vector<8x768xf32>
    %logistic3A_1357 = arith.addf %logistic3A_1356, %logistic3A_1354 : vector<8x768xf32>
    %logistic3A_1358 = arith.divf %logistic3A_1356, %logistic3A_1357 : vector<8x768xf32>
    %slice3A_1359 = vector.extract_strided_slice %add3A_1344 {offsets = [0, 1536], sizes = [8, 768], strides = [1, 1]} : vector<8x3072xf32> to vector<8x768xf32>
    %tanh3A_1360 = math.tanh %slice3A_1359 : vector<8x768xf32>
    %slice3A_1361 = vector.extract_strided_slice %add3A_1344 {offsets = [0, 2304], sizes = [8, 768], strides = [1, 1]} : vector<8x3072xf32> to vector<8x768xf32>
    %logistic3A_1362 = arith.negf %slice3A_1361 : vector<8x768xf32>
    %logistic3A_1363 = math.exp %logistic3A_1362 : vector<8x768xf32>
    %logistic3A_1364 = arith.constant 1.000000e+00 : f32
    %logistic3A_1365 = vector.broadcast %logistic3A_1364 : f32 to vector<8x768xf32>
    %logistic3A_1366 = arith.addf %logistic3A_1365, %logistic3A_1363 : vector<8x768xf32>
    %logistic3A_1367 = arith.divf %logistic3A_1365, %logistic3A_1366 : vector<8x768xf32>
    %mul3A_1368 = arith.mulf %logistic3A_1358, %add3A_1327 : vector<8x768xf32>
    %mul3A_1369 = arith.mulf %logistic3A_1351, %tanh3A_1360 : vector<8x768xf32>
    %add3A_1370 = arith.addf %mul3A_1368, %mul3A_1369 : vector<8x768xf32>
    %tanh3A_1371 = math.tanh %add3A_1370 : vector<8x768xf32>
    %mul3A_1372 = arith.mulf %logistic3A_1367, %tanh3A_1371 : vector<8x768xf32>
    %swap3A_1373 = arith.constant 0 : index
    %swap3A_1374 = arith.constant 31 : index
    %swap3A_1375 = arith.constant 0 : index
    %swap3A_1376 = vector.load %arg3[%swap3A_1373, %swap3A_1374, %swap3A_1375] : memref<8x32x768xf32, #tpu.memory_space<vmem>>, vector<8x1x768xf32>
    %swap3A_1377 = vector.shape_cast %swap3A_1376 : vector<8x1x768xf32> to vector<8x768xf32>
    %swap3A_1378 = vector.shape_cast %mul3A_1372 : vector<8x768xf32> to vector<8x1x768xf32>
    tpu.vector_store %arg3[%swap3A_1373, %swap3A_1374, %swap3A_1375], %swap3A_1378 {strides = array<i32>} : memref<8x32x768xf32, #tpu.memory_space<vmem>>, vector<8x1x768xf32>,
    %swap3A_1379 = arith.constant 0 : index
    %swap3A_1380 = arith.constant 0 : index
    %swap3A_1381 = vector.load %arg4[%swap3A_1379, %swap3A_1380] : memref<8x768xf32, #tpu.memory_space<vmem>>, vector<8x768xf32>
    tpu.vector_store %arg4[%swap3A_1379, %swap3A_1380], %mul3A_1372 {strides = array<i32>} : memref<8x768xf32, #tpu.memory_space<vmem>>, vector<8x768xf32>,
    %swap3A_1382 = arith.constant 0 : index
    %swap3A_1383 = arith.constant 0 : index
    %swap3A_1384 = vector.load %arg5[%swap3A_1382, %swap3A_1383] : memref<8x768xf32, #tpu.memory_space<vmem>>, vector<8x768xf32>
    tpu.vector_store %arg5[%swap3A_1382, %swap3A_1383], %add3A_1370 {strides = array<i32>} : memref<8x768xf32, #tpu.memory_space<vmem>>, vector<8x768xf32>,
    return
  }
  func.func @transform_0(%arg0: i32) -> (i32, i32, i32) {
    %c0_i32 = arith.constant 0 : i32
    %c0_i32_0 = arith.constant 0 : i32
    %c0_i32_1 = arith.constant 0 : i32
    return %arg0, %c0_i32, %c0_i32_0 : i32, i32, i32
  }
  func.func @transform_1(%arg0: i32) -> (i32, i32) {
    %c0_i32 = arith.constant 0 : i32
    %c0_i32_0 = arith.constant 0 : i32
    %c0_i32_1 = arith.constant 0 : i32
    return %c0_i32, %c0_i32_0 : i32, i32
  }
  func.func @transform_2(%arg0: i32) -> (i32, i32, i32) {
    %c0_i32 = arith.constant 0 : i32
    %c0_i32_0 = arith.constant 0 : i32
    %c0_i32_1 = arith.constant 0 : i32
    return %c0_i32, %arg0, %c0_i32_0 : i32, i32, i32
  }
}

module attributes {stable_mosaic.version = 14 : i64} {
  func.func @_gates_body(%arg0: i32, %arg1: memref<2048x768xf32, #tpu.memory_space<vmem>>, %arg2: memref<1024x768xf32, #tpu.memory_space<vmem>>, %arg3: memref<1x1x1024xf32, #tpu.memory_space<vmem>>, %arg4: memref<1x1x1024xf32, #tpu.memory_space<vmem>>, %arg5: memref<2048x1024xf32, #tpu.memory_space<vmem>>) attributes {dimension_semantics = [#tpu.dimension_semantics<arbitrary>], iteration_bounds = array<i64: 3>, scalar_prefetch = 0 : i64, scratch_operands = 0 : i64, tpu.core_type = #tpu.core_type<tc>, window_params = [{pipeline_mode = #tpu.pipeline_mode<synchronous>, transform_indices = @transform_0, window_bounds = array<i64: 2048, 768>}, {transform_indices = @transform_1, window_bounds = array<i64: 1024, 768>}, {transform_indices = @transform_2, window_bounds = array<i64: 1, 1, 1024>}, {transform_indices = @transform_3, window_bounds = array<i64: 1, 1, 1024>}, {transform_indices = @transform_4, window_bounds = array<i64: 2048, 1024>}]} {
    %get3A = arith.constant 0 : index
    %get3A_0 = arith.constant 0 : index
    %get3A_1 = vector.load %arg1[%get3A, %get3A_0] : memref<2048x768xf32, #tpu.memory_space<vmem>>, vector<2048x768xf32>
    %convert_element_type3A = arith.truncf %get3A_1 : vector<2048x768xf32> to vector<2048x768xbf16>
    %get3A_2 = arith.constant 0 : index
    %get3A_3 = arith.constant 0 : index
    %get3A_4 = vector.load %arg2[%get3A_2, %get3A_3] : memref<1024x768xf32, #tpu.memory_space<vmem>>, vector<1024x768xf32>
    %convert_element_type3A_5 = arith.truncf %get3A_4 : vector<1024x768xf32> to vector<1024x768xbf16>
    %dot_general3A = arith.constant dense<0.000000e+00> : vector<2048x1024xf32>
    %dot_general3A_6 = tpu.matmul %convert_element_type3A, %convert_element_type3A_5, %dot_general3A {dimension_numbers = #tpu.dot_dimension_numbers<[1], [1], [0], [0], [0, 0, 1, 0], [], []>, transpose_lhs_hint = false} : vector<2048x768xbf16>, vector<1024x768xbf16>, vector<2048x1024xf32> -> vector<2048x1024xf32>
    %get3A_7 = arith.constant 0 : index
    %get3A_8 = arith.constant 0 : index
    %get3A_9 = arith.constant 0 : index
    %get3A_10 = vector.load %arg3[%get3A_7, %get3A_8, %get3A_9] : memref<1x1x1024xf32, #tpu.memory_space<vmem>>, vector<1x1x1024xf32>
    %get3A_11 = vector.shape_cast %get3A_10 : vector<1x1x1024xf32> to vector<1024xf32>
    %broadcast_in_dim3A = vector.shape_cast %get3A_11 : vector<1024xf32> to vector<1x1024xf32>
    %add3A = vector.broadcast %broadcast_in_dim3A : vector<1x1024xf32> to vector<2048x1024xf32>
    %add3A_12 = arith.addf %dot_general3A_6, %add3A : vector<2048x1024xf32>
    %get3A_13 = arith.constant 0 : index
    %get3A_14 = arith.constant 0 : index
    %get3A_15 = arith.constant 0 : index
    %get3A_16 = vector.load %arg4[%get3A_13, %get3A_14, %get3A_15] : memref<1x1x1024xf32, #tpu.memory_space<vmem>>, vector<1x1x1024xf32>
    %get3A_17 = vector.shape_cast %get3A_16 : vector<1x1x1024xf32> to vector<1024xf32>
    %broadcast_in_dim3A_18 = vector.shape_cast %get3A_17 : vector<1024xf32> to vector<1x1024xf32>
    %add3A_19 = vector.broadcast %broadcast_in_dim3A_18 : vector<1x1024xf32> to vector<2048x1024xf32>
    %add3A_20 = arith.addf %add3A_12, %add3A_19 : vector<2048x1024xf32>
    %swap3A = arith.constant 0 : index
    %swap3A_21 = arith.constant 0 : index
    %swap3A_22 = vector.load %arg5[%swap3A, %swap3A_21] : memref<2048x1024xf32, #tpu.memory_space<vmem>>, vector<2048x1024xf32>
    tpu.vector_store %arg5[%swap3A, %swap3A_21], %add3A_20 {strides = array<i32>} : memref<2048x1024xf32, #tpu.memory_space<vmem>>, vector<2048x1024xf32>,
    return
  }
  func.func @transform_0(%arg0: i32) -> (i32, i32) {
    %c0_i32 = arith.constant 0 : i32
    %c0_i32_0 = arith.constant 0 : i32
    %c0_i32_1 = arith.constant 0 : i32
    return %c0_i32, %c0_i32_0 : i32, i32
  }
  func.func @transform_1(%arg0: i32) -> (i32, i32) {
    %c0_i32 = arith.constant 0 : i32
    %c0_i32_0 = arith.constant 0 : i32
    return %arg0, %c0_i32 : i32, i32
  }
  func.func @transform_2(%arg0: i32) -> (i32, i32, i32) {
    %c0_i32 = arith.constant 0 : i32
    %c0_i32_0 = arith.constant 0 : i32
    %c0_i32_1 = arith.constant 0 : i32
    return %arg0, %c0_i32, %c0_i32_0 : i32, i32, i32
  }
  func.func @transform_3(%arg0: i32) -> (i32, i32, i32) {
    %c0_i32 = arith.constant 0 : i32
    %c0_i32_0 = arith.constant 0 : i32
    %c0_i32_1 = arith.constant 0 : i32
    return %arg0, %c0_i32, %c0_i32_0 : i32, i32, i32
  }
  func.func @transform_4(%arg0: i32) -> (i32, i32) {
    %c0_i32 = arith.constant 0 : i32
    %c0_i32_0 = arith.constant 0 : i32
    return %c0_i32, %arg0 : i32, i32
  }
}

module attributes {stable_mosaic.version = 14 : i64} {
  func.func @_proj_body(%arg0: i32, %arg1: memref<8x256x768xf32, #tpu.memory_space<vmem>>, %arg2: memref<1000x768xf32, #tpu.memory_space<vmem>>, %arg3: memref<1x1x1000xf32, #tpu.memory_space<vmem>>, %arg4: memref<8x1000x256xf32, #tpu.memory_space<vmem>>) attributes {dimension_semantics = [#tpu.dimension_semantics<arbitrary>], iteration_bounds = array<i64: 10>, scalar_prefetch = 0 : i64, scratch_operands = 0 : i64, tpu.core_type = #tpu.core_type<tc>, window_params = [{pipeline_mode = #tpu.pipeline_mode<synchronous>, transform_indices = @transform_0, window_bounds = array<i64: 8, 256, 768>}, {transform_indices = @transform_1, window_bounds = array<i64: 1000, 768>}, {transform_indices = @transform_2, window_bounds = array<i64: 1, 1, 1000>}, {transform_indices = @transform_3, window_bounds = array<i64: 8, 1000, 256>}]} {
    %get3A = arith.constant 0 : index
    %get3A_0 = arith.constant 0 : index
    %get3A_1 = arith.constant 0 : index
    %get3A_2 = vector.load %arg3[%get3A, %get3A_0, %get3A_1] : memref<1x1x1000xf32, #tpu.memory_space<vmem>>, vector<1x1x1000xf32>
    %get3A_3 = vector.shape_cast %get3A_2 : vector<1x1x1000xf32> to vector<1000xf32>
    %broadcast_in_dim3A = vector.shape_cast %get3A_3 : vector<1000xf32> to vector<1000x1xf32>
    %get3A_4 = arith.constant 0 : index
    %get3A_5 = arith.constant 0 : index
    %get3A_6 = arith.constant 0 : index
    %get3A_7 = vector.load %arg1[%get3A_4, %get3A_5, %get3A_6] : memref<8x256x768xf32, #tpu.memory_space<vmem>>, vector<1x256x768xf32>
    %get3A_8 = vector.shape_cast %get3A_7 : vector<1x256x768xf32> to vector<256x768xf32>
    %convert_element_type3A = arith.truncf %get3A_8 : vector<256x768xf32> to vector<256x768xbf16>
    %transpose3A = tpu.transpose %convert_element_type3A, [1, 0] : vector<256x768xbf16> -> vector<768x256xbf16>
    %get3A_9 = arith.constant 0 : index
    %get3A_10 = arith.constant 0 : index
    %get3A_11 = vector.load %arg2[%get3A_9, %get3A_10] : memref<1000x768xf32, #tpu.memory_space<vmem>>, vector<1000x768xf32>
    %convert_element_type3A_12 = arith.truncf %get3A_11 : vector<1000x768xf32> to vector<1000x768xbf16>
    %dot_general3A = arith.constant dense<0.000000e+00> : vector<1000x256xf32>
    %dot_general3A_13 = tpu.matmul %convert_element_type3A_12, %transpose3A, %dot_general3A {dimension_numbers = #tpu.dot_dimension_numbers<[1], [0], [0], [1], [0, 0, 1, 1], [], []>, transpose_lhs_hint = false} : vector<1000x768xbf16>, vector<768x256xbf16>, vector<1000x256xf32> -> vector<1000x256xf32>
    %add3A = vector.broadcast %broadcast_in_dim3A : vector<1000x1xf32> to vector<1000x256xf32>
    %add3A_14 = arith.addf %dot_general3A_13, %add3A : vector<1000x256xf32>
    %swap3A = arith.constant 0 : index
    %swap3A_15 = arith.constant 0 : index
    %swap3A_16 = arith.constant 0 : index
    %swap3A_17 = vector.load %arg4[%swap3A, %swap3A_15, %swap3A_16] : memref<8x1000x256xf32, #tpu.memory_space<vmem>>, vector<1x1000x256xf32>
    %swap3A_18 = vector.shape_cast %swap3A_17 : vector<1x1000x256xf32> to vector<1000x256xf32>
    %swap3A_19 = vector.shape_cast %add3A_14 : vector<1000x256xf32> to vector<1x1000x256xf32>
    tpu.vector_store %arg4[%swap3A, %swap3A_15, %swap3A_16], %swap3A_19 {strides = array<i32>} : memref<8x1000x256xf32, #tpu.memory_space<vmem>>, vector<1x1000x256xf32>,
    %get3A_20 = arith.constant 1 : index
    %get3A_21 = arith.constant 0 : index
    %get3A_22 = arith.constant 0 : index
    %get3A_23 = vector.load %arg1[%get3A_20, %get3A_21, %get3A_22] : memref<8x256x768xf32, #tpu.memory_space<vmem>>, vector<1x256x768xf32>
    %get3A_24 = vector.shape_cast %get3A_23 : vector<1x256x768xf32> to vector<256x768xf32>
    %convert_element_type3A_25 = arith.truncf %get3A_24 : vector<256x768xf32> to vector<256x768xbf16>
    %transpose3A_26 = tpu.transpose %convert_element_type3A_25, [1, 0] : vector<256x768xbf16> -> vector<768x256xbf16>
    %get3A_27 = arith.constant 0 : index
    %get3A_28 = arith.constant 0 : index
    %get3A_29 = vector.load %arg2[%get3A_27, %get3A_28] : memref<1000x768xf32, #tpu.memory_space<vmem>>, vector<1000x768xf32>
    %convert_element_type3A_30 = arith.truncf %get3A_29 : vector<1000x768xf32> to vector<1000x768xbf16>
    %dot_general3A_31 = arith.constant dense<0.000000e+00> : vector<1000x256xf32>
    %dot_general3A_32 = tpu.matmul %convert_element_type3A_30, %transpose3A_26, %dot_general3A_31 {dimension_numbers = #tpu.dot_dimension_numbers<[1], [0], [0], [1], [0, 0, 1, 1], [], []>, transpose_lhs_hint = false} : vector<1000x768xbf16>, vector<768x256xbf16>, vector<1000x256xf32> -> vector<1000x256xf32>
    %add3A_33 = vector.broadcast %broadcast_in_dim3A : vector<1000x1xf32> to vector<1000x256xf32>
    %add3A_34 = arith.addf %dot_general3A_32, %add3A_33 : vector<1000x256xf32>
    %swap3A_35 = arith.constant 1 : index
    %swap3A_36 = arith.constant 0 : index
    %swap3A_37 = arith.constant 0 : index
    %swap3A_38 = vector.load %arg4[%swap3A_35, %swap3A_36, %swap3A_37] : memref<8x1000x256xf32, #tpu.memory_space<vmem>>, vector<1x1000x256xf32>
    %swap3A_39 = vector.shape_cast %swap3A_38 : vector<1x1000x256xf32> to vector<1000x256xf32>
    %swap3A_40 = vector.shape_cast %add3A_34 : vector<1000x256xf32> to vector<1x1000x256xf32>
    tpu.vector_store %arg4[%swap3A_35, %swap3A_36, %swap3A_37], %swap3A_40 {strides = array<i32>} : memref<8x1000x256xf32, #tpu.memory_space<vmem>>, vector<1x1000x256xf32>,
    %get3A_41 = arith.constant 2 : index
    %get3A_42 = arith.constant 0 : index
    %get3A_43 = arith.constant 0 : index
    %get3A_44 = vector.load %arg1[%get3A_41, %get3A_42, %get3A_43] : memref<8x256x768xf32, #tpu.memory_space<vmem>>, vector<1x256x768xf32>
    %get3A_45 = vector.shape_cast %get3A_44 : vector<1x256x768xf32> to vector<256x768xf32>
    %convert_element_type3A_46 = arith.truncf %get3A_45 : vector<256x768xf32> to vector<256x768xbf16>
    %transpose3A_47 = tpu.transpose %convert_element_type3A_46, [1, 0] : vector<256x768xbf16> -> vector<768x256xbf16>
    %get3A_48 = arith.constant 0 : index
    %get3A_49 = arith.constant 0 : index
    %get3A_50 = vector.load %arg2[%get3A_48, %get3A_49] : memref<1000x768xf32, #tpu.memory_space<vmem>>, vector<1000x768xf32>
    %convert_element_type3A_51 = arith.truncf %get3A_50 : vector<1000x768xf32> to vector<1000x768xbf16>
    %dot_general3A_52 = arith.constant dense<0.000000e+00> : vector<1000x256xf32>
    %dot_general3A_53 = tpu.matmul %convert_element_type3A_51, %transpose3A_47, %dot_general3A_52 {dimension_numbers = #tpu.dot_dimension_numbers<[1], [0], [0], [1], [0, 0, 1, 1], [], []>, transpose_lhs_hint = false} : vector<1000x768xbf16>, vector<768x256xbf16>, vector<1000x256xf32> -> vector<1000x256xf32>
    %add3A_54 = vector.broadcast %broadcast_in_dim3A : vector<1000x1xf32> to vector<1000x256xf32>
    %add3A_55 = arith.addf %dot_general3A_53, %add3A_54 : vector<1000x256xf32>
    %swap3A_56 = arith.constant 2 : index
    %swap3A_57 = arith.constant 0 : index
    %swap3A_58 = arith.constant 0 : index
    %swap3A_59 = vector.load %arg4[%swap3A_56, %swap3A_57, %swap3A_58] : memref<8x1000x256xf32, #tpu.memory_space<vmem>>, vector<1x1000x256xf32>
    %swap3A_60 = vector.shape_cast %swap3A_59 : vector<1x1000x256xf32> to vector<1000x256xf32>
    %swap3A_61 = vector.shape_cast %add3A_55 : vector<1000x256xf32> to vector<1x1000x256xf32>
    tpu.vector_store %arg4[%swap3A_56, %swap3A_57, %swap3A_58], %swap3A_61 {strides = array<i32>} : memref<8x1000x256xf32, #tpu.memory_space<vmem>>, vector<1x1000x256xf32>,
    %get3A_62 = arith.constant 3 : index
    %get3A_63 = arith.constant 0 : index
    %get3A_64 = arith.constant 0 : index
    %get3A_65 = vector.load %arg1[%get3A_62, %get3A_63, %get3A_64] : memref<8x256x768xf32, #tpu.memory_space<vmem>>, vector<1x256x768xf32>
    %get3A_66 = vector.shape_cast %get3A_65 : vector<1x256x768xf32> to vector<256x768xf32>
    %convert_element_type3A_67 = arith.truncf %get3A_66 : vector<256x768xf32> to vector<256x768xbf16>
    %transpose3A_68 = tpu.transpose %convert_element_type3A_67, [1, 0] : vector<256x768xbf16> -> vector<768x256xbf16>
    %get3A_69 = arith.constant 0 : index
    %get3A_70 = arith.constant 0 : index
    %get3A_71 = vector.load %arg2[%get3A_69, %get3A_70] : memref<1000x768xf32, #tpu.memory_space<vmem>>, vector<1000x768xf32>
    %convert_element_type3A_72 = arith.truncf %get3A_71 : vector<1000x768xf32> to vector<1000x768xbf16>
    %dot_general3A_73 = arith.constant dense<0.000000e+00> : vector<1000x256xf32>
    %dot_general3A_74 = tpu.matmul %convert_element_type3A_72, %transpose3A_68, %dot_general3A_73 {dimension_numbers = #tpu.dot_dimension_numbers<[1], [0], [0], [1], [0, 0, 1, 1], [], []>, transpose_lhs_hint = false} : vector<1000x768xbf16>, vector<768x256xbf16>, vector<1000x256xf32> -> vector<1000x256xf32>
    %add3A_75 = vector.broadcast %broadcast_in_dim3A : vector<1000x1xf32> to vector<1000x256xf32>
    %add3A_76 = arith.addf %dot_general3A_74, %add3A_75 : vector<1000x256xf32>
    %swap3A_77 = arith.constant 3 : index
    %swap3A_78 = arith.constant 0 : index
    %swap3A_79 = arith.constant 0 : index
    %swap3A_80 = vector.load %arg4[%swap3A_77, %swap3A_78, %swap3A_79] : memref<8x1000x256xf32, #tpu.memory_space<vmem>>, vector<1x1000x256xf32>
    %swap3A_81 = vector.shape_cast %swap3A_80 : vector<1x1000x256xf32> to vector<1000x256xf32>
    %swap3A_82 = vector.shape_cast %add3A_76 : vector<1000x256xf32> to vector<1x1000x256xf32>
    tpu.vector_store %arg4[%swap3A_77, %swap3A_78, %swap3A_79], %swap3A_82 {strides = array<i32>} : memref<8x1000x256xf32, #tpu.memory_space<vmem>>, vector<1x1000x256xf32>,
    %get3A_83 = arith.constant 4 : index
    %get3A_84 = arith.constant 0 : index
    %get3A_85 = arith.constant 0 : index
    %get3A_86 = vector.load %arg1[%get3A_83, %get3A_84, %get3A_85] : memref<8x256x768xf32, #tpu.memory_space<vmem>>, vector<1x256x768xf32>
    %get3A_87 = vector.shape_cast %get3A_86 : vector<1x256x768xf32> to vector<256x768xf32>
    %convert_element_type3A_88 = arith.truncf %get3A_87 : vector<256x768xf32> to vector<256x768xbf16>
    %transpose3A_89 = tpu.transpose %convert_element_type3A_88, [1, 0] : vector<256x768xbf16> -> vector<768x256xbf16>
    %get3A_90 = arith.constant 0 : index
    %get3A_91 = arith.constant 0 : index
    %get3A_92 = vector.load %arg2[%get3A_90, %get3A_91] : memref<1000x768xf32, #tpu.memory_space<vmem>>, vector<1000x768xf32>
    %convert_element_type3A_93 = arith.truncf %get3A_92 : vector<1000x768xf32> to vector<1000x768xbf16>
    %dot_general3A_94 = arith.constant dense<0.000000e+00> : vector<1000x256xf32>
    %dot_general3A_95 = tpu.matmul %convert_element_type3A_93, %transpose3A_89, %dot_general3A_94 {dimension_numbers = #tpu.dot_dimension_numbers<[1], [0], [0], [1], [0, 0, 1, 1], [], []>, transpose_lhs_hint = false} : vector<1000x768xbf16>, vector<768x256xbf16>, vector<1000x256xf32> -> vector<1000x256xf32>
    %add3A_96 = vector.broadcast %broadcast_in_dim3A : vector<1000x1xf32> to vector<1000x256xf32>
    %add3A_97 = arith.addf %dot_general3A_95, %add3A_96 : vector<1000x256xf32>
    %swap3A_98 = arith.constant 4 : index
    %swap3A_99 = arith.constant 0 : index
    %swap3A_100 = arith.constant 0 : index
    %swap3A_101 = vector.load %arg4[%swap3A_98, %swap3A_99, %swap3A_100] : memref<8x1000x256xf32, #tpu.memory_space<vmem>>, vector<1x1000x256xf32>
    %swap3A_102 = vector.shape_cast %swap3A_101 : vector<1x1000x256xf32> to vector<1000x256xf32>
    %swap3A_103 = vector.shape_cast %add3A_97 : vector<1000x256xf32> to vector<1x1000x256xf32>
    tpu.vector_store %arg4[%swap3A_98, %swap3A_99, %swap3A_100], %swap3A_103 {strides = array<i32>} : memref<8x1000x256xf32, #tpu.memory_space<vmem>>, vector<1x1000x256xf32>,
    %get3A_104 = arith.constant 5 : index
    %get3A_105 = arith.constant 0 : index
    %get3A_106 = arith.constant 0 : index
    %get3A_107 = vector.load %arg1[%get3A_104, %get3A_105, %get3A_106] : memref<8x256x768xf32, #tpu.memory_space<vmem>>, vector<1x256x768xf32>
    %get3A_108 = vector.shape_cast %get3A_107 : vector<1x256x768xf32> to vector<256x768xf32>
    %convert_element_type3A_109 = arith.truncf %get3A_108 : vector<256x768xf32> to vector<256x768xbf16>
    %transpose3A_110 = tpu.transpose %convert_element_type3A_109, [1, 0] : vector<256x768xbf16> -> vector<768x256xbf16>
    %get3A_111 = arith.constant 0 : index
    %get3A_112 = arith.constant 0 : index
    %get3A_113 = vector.load %arg2[%get3A_111, %get3A_112] : memref<1000x768xf32, #tpu.memory_space<vmem>>, vector<1000x768xf32>
    %convert_element_type3A_114 = arith.truncf %get3A_113 : vector<1000x768xf32> to vector<1000x768xbf16>
    %dot_general3A_115 = arith.constant dense<0.000000e+00> : vector<1000x256xf32>
    %dot_general3A_116 = tpu.matmul %convert_element_type3A_114, %transpose3A_110, %dot_general3A_115 {dimension_numbers = #tpu.dot_dimension_numbers<[1], [0], [0], [1], [0, 0, 1, 1], [], []>, transpose_lhs_hint = false} : vector<1000x768xbf16>, vector<768x256xbf16>, vector<1000x256xf32> -> vector<1000x256xf32>
    %add3A_117 = vector.broadcast %broadcast_in_dim3A : vector<1000x1xf32> to vector<1000x256xf32>
    %add3A_118 = arith.addf %dot_general3A_116, %add3A_117 : vector<1000x256xf32>
    %swap3A_119 = arith.constant 5 : index
    %swap3A_120 = arith.constant 0 : index
    %swap3A_121 = arith.constant 0 : index
    %swap3A_122 = vector.load %arg4[%swap3A_119, %swap3A_120, %swap3A_121] : memref<8x1000x256xf32, #tpu.memory_space<vmem>>, vector<1x1000x256xf32>
    %swap3A_123 = vector.shape_cast %swap3A_122 : vector<1x1000x256xf32> to vector<1000x256xf32>
    %swap3A_124 = vector.shape_cast %add3A_118 : vector<1000x256xf32> to vector<1x1000x256xf32>
    tpu.vector_store %arg4[%swap3A_119, %swap3A_120, %swap3A_121], %swap3A_124 {strides = array<i32>} : memref<8x1000x256xf32, #tpu.memory_space<vmem>>, vector<1x1000x256xf32>,
    %get3A_125 = arith.constant 6 : index
    %get3A_126 = arith.constant 0 : index
    %get3A_127 = arith.constant 0 : index
    %get3A_128 = vector.load %arg1[%get3A_125, %get3A_126, %get3A_127] : memref<8x256x768xf32, #tpu.memory_space<vmem>>, vector<1x256x768xf32>
    %get3A_129 = vector.shape_cast %get3A_128 : vector<1x256x768xf32> to vector<256x768xf32>
    %convert_element_type3A_130 = arith.truncf %get3A_129 : vector<256x768xf32> to vector<256x768xbf16>
    %transpose3A_131 = tpu.transpose %convert_element_type3A_130, [1, 0] : vector<256x768xbf16> -> vector<768x256xbf16>
    %get3A_132 = arith.constant 0 : index
    %get3A_133 = arith.constant 0 : index
    %get3A_134 = vector.load %arg2[%get3A_132, %get3A_133] : memref<1000x768xf32, #tpu.memory_space<vmem>>, vector<1000x768xf32>
    %convert_element_type3A_135 = arith.truncf %get3A_134 : vector<1000x768xf32> to vector<1000x768xbf16>
    %dot_general3A_136 = arith.constant dense<0.000000e+00> : vector<1000x256xf32>
    %dot_general3A_137 = tpu.matmul %convert_element_type3A_135, %transpose3A_131, %dot_general3A_136 {dimension_numbers = #tpu.dot_dimension_numbers<[1], [0], [0], [1], [0, 0, 1, 1], [], []>, transpose_lhs_hint = false} : vector<1000x768xbf16>, vector<768x256xbf16>, vector<1000x256xf32> -> vector<1000x256xf32>
    %add3A_138 = vector.broadcast %broadcast_in_dim3A : vector<1000x1xf32> to vector<1000x256xf32>
    %add3A_139 = arith.addf %dot_general3A_137, %add3A_138 : vector<1000x256xf32>
    %swap3A_140 = arith.constant 6 : index
    %swap3A_141 = arith.constant 0 : index
    %swap3A_142 = arith.constant 0 : index
    %swap3A_143 = vector.load %arg4[%swap3A_140, %swap3A_141, %swap3A_142] : memref<8x1000x256xf32, #tpu.memory_space<vmem>>, vector<1x1000x256xf32>
    %swap3A_144 = vector.shape_cast %swap3A_143 : vector<1x1000x256xf32> to vector<1000x256xf32>
    %swap3A_145 = vector.shape_cast %add3A_139 : vector<1000x256xf32> to vector<1x1000x256xf32>
    tpu.vector_store %arg4[%swap3A_140, %swap3A_141, %swap3A_142], %swap3A_145 {strides = array<i32>} : memref<8x1000x256xf32, #tpu.memory_space<vmem>>, vector<1x1000x256xf32>,
    %get3A_146 = arith.constant 7 : index
    %get3A_147 = arith.constant 0 : index
    %get3A_148 = arith.constant 0 : index
    %get3A_149 = vector.load %arg1[%get3A_146, %get3A_147, %get3A_148] : memref<8x256x768xf32, #tpu.memory_space<vmem>>, vector<1x256x768xf32>
    %get3A_150 = vector.shape_cast %get3A_149 : vector<1x256x768xf32> to vector<256x768xf32>
    %convert_element_type3A_151 = arith.truncf %get3A_150 : vector<256x768xf32> to vector<256x768xbf16>
    %transpose3A_152 = tpu.transpose %convert_element_type3A_151, [1, 0] : vector<256x768xbf16> -> vector<768x256xbf16>
    %get3A_153 = arith.constant 0 : index
    %get3A_154 = arith.constant 0 : index
    %get3A_155 = vector.load %arg2[%get3A_153, %get3A_154] : memref<1000x768xf32, #tpu.memory_space<vmem>>, vector<1000x768xf32>
    %convert_element_type3A_156 = arith.truncf %get3A_155 : vector<1000x768xf32> to vector<1000x768xbf16>
    %dot_general3A_157 = arith.constant dense<0.000000e+00> : vector<1000x256xf32>
    %dot_general3A_158 = tpu.matmul %convert_element_type3A_156, %transpose3A_152, %dot_general3A_157 {dimension_numbers = #tpu.dot_dimension_numbers<[1], [0], [0], [1], [0, 0, 1, 1], [], []>, transpose_lhs_hint = false} : vector<1000x768xbf16>, vector<768x256xbf16>, vector<1000x256xf32> -> vector<1000x256xf32>
    %add3A_159 = vector.broadcast %broadcast_in_dim3A : vector<1000x1xf32> to vector<1000x256xf32>
    %add3A_160 = arith.addf %dot_general3A_158, %add3A_159 : vector<1000x256xf32>
    %swap3A_161 = arith.constant 7 : index
    %swap3A_162 = arith.constant 0 : index
    %swap3A_163 = arith.constant 0 : index
    %swap3A_164 = vector.load %arg4[%swap3A_161, %swap3A_162, %swap3A_163] : memref<8x1000x256xf32, #tpu.memory_space<vmem>>, vector<1x1000x256xf32>
    %swap3A_165 = vector.shape_cast %swap3A_164 : vector<1x1000x256xf32> to vector<1000x256xf32>
    %swap3A_166 = vector.shape_cast %add3A_160 : vector<1000x256xf32> to vector<1x1000x256xf32>
    tpu.vector_store %arg4[%swap3A_161, %swap3A_162, %swap3A_163], %swap3A_166 {strides = array<i32>} : memref<8x1000x256xf32, #tpu.memory_space<vmem>>, vector<1x1000x256xf32>,
    return
  }
  func.func @transform_0(%arg0: i32) -> (i32, i32, i32) {
    %c0_i32 = arith.constant 0 : i32
    %c0_i32_0 = arith.constant 0 : i32
    %c0_i32_1 = arith.constant 0 : i32
    %c0_i32_2 = arith.constant 0 : i32
    return %c0_i32, %c0_i32_0, %c0_i32_1 : i32, i32, i32
  }
  func.func @transform_1(%arg0: i32) -> (i32, i32) {
    %c0_i32 = arith.constant 0 : i32
    %c0_i32_0 = arith.constant 0 : i32
    return %arg0, %c0_i32 : i32, i32
  }
  func.func @transform_2(%arg0: i32) -> (i32, i32, i32) {
    %c0_i32 = arith.constant 0 : i32
    %c0_i32_0 = arith.constant 0 : i32
    %c0_i32_1 = arith.constant 0 : i32
    return %arg0, %c0_i32, %c0_i32_0 : i32, i32, i32
  }
  func.func @transform_3(%arg0: i32) -> (i32, i32, i32) {
    %c0_i32 = arith.constant 0 : i32
    %c0_i32_0 = arith.constant 0 : i32
    %c0_i32_1 = arith.constant 0 : i32
    return %c0_i32, %arg0, %c0_i32_0 : i32, i32, i32
  }
}

</mosaic_0001>

<sc_bundles>
// kernel: kernel.6.cloned.1.call-start
scs
__scs_entry_jumppad:
0x0: {  	(pc) =	sbr.rel $0x88, $3  }
0x1: {  	(tag) =	ssettag $0x0;
	lr =	simm.s32 $0x1  }
0x2: {  	[smem:$0x3F99] =	sst lr;
	_ =	strace $0xD0000000  }
0x3: {  	_ = 	snop  }
0x4: {  	_ = 	snop  }
0x5: {  	_ = 	snop  }
0x6: {  	_ = 	snop  }
0x7: {  	_ = 	snop  }
__scs_overlays_trampoline_lowered:
0x8: {  	[smem:$0x3FA8] =	sst s0  }
0x9: {  	[smem:$0x3FA9] =	sst s1  }
0xa: {  	[smem:$0x3FAA] =	sst s2  }
0xb: {  	[smem:$0x3FAB] =	sst s3  }
0xc: {  	[smem:$0x3FAC] =	sst s4  }
0xd: {  	[smem:$0x3FAD] =	sst s5  }
0xe: {  	[smem:$0x3FAE] =	sst s6  }
0xf: {  	[smem:$0x3FAF] =	sst s7  }
0x10: {  	[smem:$0x3FB0] =	sst s8  }
0x11: {  	[smem:$0x3FB1] =	sst s9;
	s0 =	simm.s32 @!p0 $0x0  }
0x12: {  	s1 =	sld [smem:$0x3F97];
	s0 =	simm.s32 @p0 $0x1  }
0x13: {  	[smem:$0x3FB2] =	sst s0;
	s0 =	simm.s32 @!p1 $0x0  }
0x14: {  	s2 =	sld [smem:$0x3F96];
	s0 =	simm.s32 @p1 $0x1  }
0x15: {  	[smem:$0x3FB3] =	sst s0;
	s0 =	simm.s32 @!p2 $0x0  }
0x16: {  	s3 =	sld [smem:$0x3FDB];
	s0 =	simm.s32 @p2 $0x1  }
0x17: {  	s4 =	simm.s32 $0x1BF5;
	[smem:$0x3FB5] =	sst s0  }
0x18: {  	s0 =	sld [smem:$0x3F98];
	_ =	swait.ge [sflag:s4], $0x0  }
0x19: {  	s7 =	sld [smem:$0x3F99]  }
0x1a: {  	s8 =	sadd.s32 $0xFFFFE003, lr  }
0x1b: {  	s9 =	sadd.s32 $0xFFFFFEF7, lr;
	s5 =	simm.s32 $0xFFFFFFFF;
	p2 =	slt.u32 s8, $0xFFFFF086  }
0x1c: {  	p1 =	slt.u32 s9, $0xF7A;
	s5 =	simm.s32 @!p2 $0x0  }
0x1d: {  	s5 =	simm.s32 @p1 $0x1;
	p0 =	seq.s32 s7, s2  }
0x1e: {  	s7 =	smul.u32 @!p0 $0xF7A, s2;
	p2 =	seq.s32 @!p0 s5, $0x0  }
0x1f: {  	s9 =	smul.u32 $0xF7A, s1;
	s8 =	simm.s32 @!p0 $0x1BF5;
	p2 =	por !p2, p0  }
0x20: {  	[sflag:s8] =	ssyncset.s32 @!p0 $0xFFFFF086;
	s6 =	sadd.s32 @!p0 s3, s7;
	s7 =	simm.s32 @!p0 $0x108  }
0x21: {  	s3 =	sadd.s32 s3, s9;
	s6 =	sadd.s32 @!p0 $0x88, s6;
	s7 =	simm.s32 @p2 $0x1082  }
0x22: {  	[simem:s7], [sflag:s8] =	dma.local @!p0 [hbm:s6], $0xF7A  }
0x23: {  	s9 =	sor.u32 $0xD0000000, s2;
	s6 =	simm.s32 $0x108;
	_ =	swait.ge @!p0 [sflag:s8], $0x0  }
0x24: {  	s3 =	sadd.s32 $0x88, s3;
	s6 =	simm.s32 @!p1 $0x1082;
	[sflag:s4] =	ssyncset.s32 $0xFFFFF086  }
0x25: {  	[simem:s6], [sflag:s4] =	dma.local [hbm:s3], $0xF7A  }
0x26: {  	[smem:$0x3F99] =	sst s1;
	(tag) =	ssettag s2;
	_ =	strace s9  }
0x27: {  	s1 =	sld [smem:$0x3FA9]  }
0x28: {  	s2 =	sld [smem:$0x3FAA]  }
0x29: {  	s4 =	sld [smem:$0x3FAC]  }
0x2a: {  	p0 =	seq.s32 s5, $0x0;
	s5 =	sld [smem:$0x3FAD]  }
0x2b: {  	s6 =	sld [smem:$0x3FAE]  }
0x2c: {  	s7 =	sld [smem:$0x3FAF]  }
0x2d: {  	s3 =	simm.s32 $0x108;
	s8 =	sld [smem:$0x3FB0]  }
0x2e: {  	s3 =	simm.s32 @!p0 $0x1082;
	s9 =	sld [smem:$0x3FB1]  }
0x2f: {  	lr =	sadd.s32 s0, s3;
	s0 =	sld [smem:$0x3FA8]  }
0x30: {  	s3 =	sld [smem:$0x3FAB]  }
0x31: {  	[smem:$0x3FB4] =	sst s10  }
0x32: {  	s10 =	sld [smem:$0x3FB2];
	_ =	sdelay $0x3  }
0x33: {  	p0 =	seq.s32 s10, $0x1;
	s10 =	sld [smem:$0x3FB4];
	_ =	sdelay $0x3  }
0x34: {  	[smem:$0x3FB4] =	sst s10  }
0x35: {  	s10 =	sld [smem:$0x3FB3];
	_ =	sdelay $0x3  }
0x36: {  	p1 =	seq.s32 s10, $0x1;
	s10 =	sld [smem:$0x3FB4];
	_ =	sdelay $0x3  }
0x37: {  	[smem:$0x3FB4] =	sst s10  }
0x38: {  	s10 =	sld [smem:$0x3FB5]  }
0x39: {  	_ = 	snop;
	(pc) =	sbr.ind lr, $3  }
0x3a: {  	_ = 	snop  }
0x3b: {  	_ = 	snop  }
0x3c: {  	p2 =	seq.s32 s10, $0x1;
	s10 =	sld [smem:$0x3FB4]  }
0x3d: {  	_ =	shalt  }
0x3e: {  	_ =	shalt  }
0x3f: {  	_ =	shalt  }
0x40: {  	_ =	shalt  }
0x41: {  	_ =	shalt  }
0x42: {  	_ =	shalt  }
0x43: {  	_ =	shalt  }
0x44: {  	_ =	shalt  }
0x45: {  	_ =	shalt  }
0x46: {  	_ =	shalt  }
0x47: {  	_ =	shalt  }
0x48: {  	_ =	shalt  }
0x49: {  	_ =	shalt  }
0x4a: {  	_ =	shalt  }
0x4b: {  	_ =	shalt  }
0x4c: {  	_ =	shalt  }
0x4d: {  	_ =	shalt  }
0x4e: {  	_ =	shalt  }
0x4f: {  	_ =	shalt  }
0x50: {  	_ =	shalt  }
0x51: {  	_ =	shalt  }
0x52: {  	_ =	shalt  }
0x53: {  	_ =	shalt  }
0x54: {  	_ =	shalt  }
0x55: {  	_ =	shalt  }
0x56: {  	_ =	shalt  }
0x57: {  	_ =	shalt  }
0x58: {  	_ =	shalt  }
0x59: {  	_ =	shalt  }
0x5a: {  	_ =	shalt  }
0x5b: {  	_ =	shalt  }
0x5c: {  	_ =	shalt  }
0x5d: {  	_ =	shalt  }
0x5e: {  	_ =	shalt  }
0x5f: {  	_ =	shalt  }
0x60: {  	_ =	shalt  }
0x61: {  	_ =	shalt  }
0x62: {  	_ =	shalt  }
0x63: {  	_ =	shalt  }
0x64: {  	_ =	shalt  }
0x65: {  	_ =	shalt  }
0x66: {  	_ =	shalt  }
0x67: {  	_ =	shalt  }
0x68: {  	_ =	shalt  }
0x69: {  	_ =	shalt  }
0x6a: {  	_ =	shalt  }
0x6b: {  	_ =	shalt  }
0x6c: {  	_ =	shalt  }
0x6d: {  	_ =	shalt  }
0x6e: {  	_ =	shalt  }
0x6f: {  	_ =	shalt  }
0x70: {  	_ =	shalt  }
0x71: {  	_ =	shalt  }
0x72: {  	_ =	shalt  }
0x73: {  	_ =	shalt  }
0x74: {  	_ =	shalt  }
0x75: {  	_ =	shalt  }
0x76: {  	_ =	shalt  }
0x77: {  	_ =	shalt  }
0x78: {  	_ =	shalt  }
0x79: {  	_ =	shalt  }
0x7a: {  	_ =	shalt  }
0x7b: {  	_ =	shalt  }
0x7c: {  	_ =	shalt  }
0x7d: {  	_ =	shalt  }
0x7e: {  	_ =	shalt  }
0x7f: {  	_ =	shalt  }
0x80: {  	_ =	shalt  }
0x81: {  	_ =	shalt  }
0x82: {  	_ =	shalt  }
0x83: {  	_ =	shalt  }
0x84: {  	_ =	shalt  }
0x85: {  	_ =	shalt  }
0x86: {  	_ =	shalt  }
0x87: {  	_ =	shalt  }
.Lfunc_end0:
.L_simem_size_0:
called_computation_lowered:
.L_overlay_start_0:
0x88: {  	s2 =	sld [smem:$0x3FD9]  }
0x89: {  	s3 =	sld [smem:$0x3FFE];
	_ =	sdelay $0x1  }
0x8a: {  	s1 =	srdreg.scid  }
0x8b: {  	s0 =	sand.u32 $0x1, s1  }
0x8c: {  	s17 =	sshll.u32 s0, $0xA;
	s2 =	sadd.s32 s3, s2  }
0x8d: {  	s2 =	sadd.s32 s2, s17  }
0x8e: {  	[smem:$0x3FC0] =	sst s2  }
0x8f: {  	_ = 	snop  }
0x90: {  	s2 =	sld [smem:$0x3FC8]  }
0x91: {  	s18 =	sld [smem:$0x3FD0];
	(tm) =	ssettm $0x1  }
0x92: {  	s4 =	sld [smem:$0x3FFB];
	_ =	sdelay $0x3  }
0x93: {  	_ =	strace s4  }
0x94: {  	s4 =	sld [smem:$0x3FFC];
	_ =	sdelay $0x3  }
0x95: {  	_ =	strace s4  }
0x96: {  	s4 =	sld [smem:$0x3FFD];
	_ =	sdelay $0x3  }
0x97: {  	_ =	strace s4  }
0x98: {  	_ =	strace $0x8FFFFFFF  }
0x99: {  	s19 =	sld [smem:$0x3FDB];
	_ =	sdelay $0x1  }
0x9a: {  	s5 =	simm.s32 $_scs_section_size  }
0x9b: {  	s6 =	simm.s32 $_size__tile_overlayer_lowered;
	s7 =	simm.s32 $_tile_overlayer_lowered  }
0x9c: {  	s22 =	simm.s32 $0x1BFF;
	s21 =	sshll.u32 s7, $0x1;
	s4 =	sadd.s32 s5, s19  }
0x9d: {  	s8 =	simm.s32 $0x0;
	s20 =	sshll.u32 s6, $0x1;
	s6 =	sadd.s32 s21, s4  }
0x9e: {  	[timem:s8], [sflag:s22] =	dma.local [hbm:s6], s20  }
0x9f: {  	_ =	swait.ge [sflag:s22], s20  }
0xa0: {  	s5 =	ssub.s32 $0x0, s20;
	[sflag:s22] =	ssyncset.done $0x0  }
0xa1: {  	[sflag:s22] =	ssyncadd.s32 s5;
	_ =	sdelay $0x1  }
0xa2: {  	s23 =	simm.s32 $0x1B8B  }
0xa3: {  	_ =	swait.ge [sflag:s23], $0x1  }
0xa4: {  	[sflag:s23] =	ssyncset.done $0x0  }
0xa5: {  	s25 =	simm.s32 $0x1B8E;
	s24 =	sld [smem:$0x3FFE];
	[sflag:s23] =	ssyncadd.s32 $0xFFFFFFFF  }
0xa6: {  	s26 =	simm.s32 $execute0_lowered;
	[smem:$0x3FD2] =	sst s25  }
0xa7: {  	s6 =	sshll.u32 s26, $0x1;
	_ =	strace $0x80000046;
	[dreg:$0x1] =	wrdreg $0xFFFFFFFF  }
0xa8: {  	s28 =	simm.s32 $_size_execute0_lowered;
	s4 =	sadd.s32 s4, s6;
	[dreg:$0x0] =	wrdreg $0x0  }
0xa9: {  	s6 =	sshll.u32 s28, $0x1;
	[dreg:$0x2] =	wrdreg s4  }
0xaa: {  	[dreg:$0x3] =	wrdreg s6  }
0xab: {  	[dreg:$0x4] =	wrdreg $0xC0  }
0xac: {  	_ =	task [dreg:s8], $0x5FFFF  }
0xad: {  	[dreg:$0x1] =	wrdreg $0xFFFFFFFF  }
0xae: {  	[dreg:$0x0] =	wrdreg $0x60  }
0xaf: {  	[dreg:$0x2] =	wrdreg s2  }
0xb0: {  	[dreg:$0x3] =	wrdreg s24  }
0xb1: {  	[dreg:$0x4] =	wrdreg s18  }
0xb2: {  	[dreg:$0x5] =	wrdreg $0x9  }
0xb3: {  	_ =	task.clear_ibuf [dreg:s8], $0x6FFFF;
	_ =	strace $0x90000046  }
0xb4: {  	s29 =	simm.s32 $0x9;
	_ =	strace $0x80000048  }
0xb5: {  	_ =	swait.ge [sflag:s29], $0x1  }
0xb6: {  	[sflag:s29] =	ssyncadd.s32 $0xFFFFFFFF  }
0xb7: {  	_ =	strace $0x90000048  }
0xb8: {  	_ =	sfence  }
0xb9: {  	s30 =	sld [smem:$0x0];
	_ =	sdelay $0x2  }
0xba: {  	s31 =	sshll.u32 s1, $0xD;
	s1 =	sshrl.u32 s1, $0x2  }
0xbb: {  	s3 =	sand.u32 $0x4000, s31;
	s1 =	sadd.s32 s1, s30  }
0xbc: {  	s0 =	sor.u32 s3, s0;
	s1 =	sshll.u32 s1, $0x11  }
0xbd: {  	s0 =	sor.u32 s1, s0  }
0xbe: {  	s0 =	sadd.s32 $0x8F2B, s0  }
0xbf: {  	[sflag:s0] =	ssyncadd.remote.s32 $0x1  }
0xc0: {  	_ =	sfence.sel $0xFFFF  }
0xc1: {  	[dreg:$0x0] =	wrdreg $0xFFFFFFFF;
	(pc) =	sbr.abs _section_cstart, $3  }
0xc2: {  	[dreg:$0x1] =	wrdreg $0xFFFFFFFF  }
0xc3: {  	_ =	task.clear_ibuf [dreg:s8], $0x2FFFF;
	_ =	strace $0x9FFFFFFF  }
0xc4: {  	(tm) =	ssettm $0x7FFFFFFF  }
0xc5: {  	_ =	shalt  }
tec
execute0_lowered:
.L_overlay_start_1:
0x0: {  	(tag) =	ssettag $0x1  }
0x1: {  	s1 =	rddreg [dreg:$0x0]  }
0x2: {  	s0 =	rddreg [dreg:$0x1]  }
0x3: {  	s5 =	rddreg [dreg:$0x2]  }
0x4: {  	s3 =	srdreg.scid;
	s2 =	stileid.u32;
	s8 =	simm.s32 $0x80  }
0x5: {  	s26 =	simm.s32 $0x880;
	s9 =	simm.s32 $0x1080;
	s10 =	simm.s32 $0x1880  }
0x6: {  	s11 =	simm.s32 $0x2080;
	s12 =	simm.s32 $0x2880;
	s13 =	simm.s32 $0x3080  }
0x7: {  	s14 =	simm.s32 $0x3880;
	s15 =	simm.s32 $0x4080;
	s16 =	simm.s32 $0x4880  }
0x8: {  	s17 =	simm.s32 $0x5080;
	s18 =	simm.s32 $0x5880;
	s19 =	simm.s32 $0x6080  }
0x9: {  	s20 =	simm.s32 $0x6880;
	s21 =	simm.s32 $0x7080;
	s22 =	simm.s32 $0x7880  }
0xa: {  	s23 =	simm.s32 $0x8080;
	s28 =	simm.s32 $0xA080;
	s29 =	simm.s32 $0xA880  }
0xb: {  	s30 =	simm.s32 $0xB080;
	s31 =	simm.s32 $0xB880;
	s4 =	sand.u32 $0x1, s3  }
0xc: {  	s3 =	simm.s32 $0x0;
	s6 =	sshll.u32 s2, $0x4;
	s7 =	sshll.u32 s4, $0x3  }
0xd: {  	[smem:$0x7FF] =	sst s3;
	s4 =	ssub.s32 $0x2, s4;
	s6 =	sor.u32 s7, s6  }
0xe: {  	s24 =	sshrl.u32 s4, $0x1;
	_ =	strace $0x80000047;
	[dreg:$0x6] =	wrdreg s26  }
0xf: {  	s26 =	simm.s32 $0x9880;
	s0 =	sadd.s32 s6, s0;
	s6 =	smul.u32 $0x300, s6  }
0x10: {  	s7 =	ssub.s32 s4, s24;
	s4 =	sadd.s32 $0x100, s1;
	s0 =	sadd.s32 $0x1000, s0  }
0x11: {  	v2 =	vlaneseq.u32;
	s24 =	simm.s32 $0x8880;
	[dreg:$0x4] =	wrdreg s0;
	s25 =	sadd.s32 s5, s6  }
0x12: {  	vm0 =	vmmov $0xffff;
	v1 =	vshrl.u32 v2, $0x3;
	s5 =	sadd.s32 $0x200, s1;
	s6 =	smax.u32 s7, $0x1;
	s7 =	simm.s32 $0x2  }
0x13: {  	v0 =	vand.u32 $0x7, v2;
	v2 =	vor.u32 $0x8, v2;
	v1 =	vmul.u32 $0x8, v1;
	s0 =	simm.s32 $0x1;
	[dreg:$0x5] =	wrdreg s25;
	s25 =	simm.s32 $0x9080  }
.LBB2_1:
0x14: {  	s2 =	rddreg [dreg:$0x4]  }
0x15: {  	[tilespmem:s3], [sflag:$0x2] =	stream.linear.gather [hbm4b:s2+s3], $0x40, $0x38;
	[tilespmem:$0xC080] =	vst v63  }
0x16: {  	_ =	swait.ge [sflag:s7], $0x40  }
0x17: {  	[sflag:s7] =	ssyncset.done $0x0  }
0x18: {  	[sflag:s7] =	ssyncadd.s32 $0xFFFFFFC0  }
0x19: {  	v3 =	vld [tilespmem:$0x0];
	_ =	sdelay $0x4  }
0x1a: {  	v4 =	vshrl.u32 v3, $0x3  }
0x1b: {  	v4 =	vmul.u32 $0x30, v4  }
0x1c: {  	v3 =	vand.u32 $0x7, v3  }
0x1d: {  	v3 =	vor.u32 v3, v4  }
0x1e: {  	v4 =	vperm.xlane v3, v0;
	_ =	sdelay $0x1  }
0x1f: {  	v4 =	vadd.s32 v1, v4;
	_ =	sdelay $0x3  }
0x20: {  	v3 =	vperm.xlane v3, v2  }
0x21: {  	[tilespmem:s8], [sflag:$0x1] =	stream.indirect_vreg.gather [hbm4b:s1+s3], $0x80, v4, vm0, $0xb8;
	[tilespmem:$0xC080] =	vst v63  }
0x22: {  	s2 =	rddreg [dreg:$0x6];
	v3 =	vadd.s32 v1, v3  }
0x23: {  	[tilespmem:s2], [sflag:$0x1] =	stream.indirect_vreg.gather [hbm4b:s4+s3], $0x80, v4, vm0, $0xb8;
	[tilespmem:$0xC080] =	vst v63  }
0x24: {  	_ = 	snop  }
0x25: {  	[tilespmem:s9], [sflag:$0x1] =	stream.indirect_vreg.gather [hbm4b:s5+s3], $0x80, v4, vm0, $0xb8;
	[tilespmem:$0xC080] =	vst v63  }
0x26: {  	_ = 	snop  }
0x27: {  	[tilespmem:s10], [sflag:$0x1] =	stream.indirect_vreg.gather [hbm4b:s1+s3], $0x80, v3, vm0, $0xb8;
	[tilespmem:$0xC080] =	vst v63  }
0x28: {  	_ = 	snop  }
0x29: {  	[tilespmem:s11], [sflag:$0x1] =	stream.indirect_vreg.gather [hbm4b:s4+s3], $0x80, v3, vm0, $0xb8;
	[tilespmem:$0xC080] =	vst v63  }
0x2a: {  	_ = 	snop  }
0x2b: {  	[tilespmem:s12], [sflag:$0x1] =	stream.indirect_vreg.gather [hbm4b:s5+s3], $0x80, v3, vm0, $0xb8;
	[tilespmem:$0xC080] =	vst v63  }
0x2c: {  	v3 =	vld [tilespmem:$0x10];
	_ =	sdelay $0x4  }
0x2d: {  	v61 =	vshrl.u32 v3, $0x3  }
0x2e: {  	v4 =	vmul.u32 $0x30, v61  }
0x2f: {  	v3 =	vand.u32 $0x7, v3  }
0x30: {  	v3 =	vor.u32 v3, v4  }
0x31: {  	v4 =	vperm.xlane v3, v0;
	_ =	sdelay $0x1  }
0x32: {  	v4 =	vadd.s32 v1, v4;
	_ =	sdelay $0x3  }
0x33: {  	v3 =	vperm.xlane v3, v2  }
0x34: {  	[tilespmem:s13], [sflag:$0x1] =	stream.indirect_vreg.gather [hbm4b:s1+s3], $0x80, v4, vm0, $0xb8;
	[tilespmem:$0xC080] =	vst v63  }
0x35: {  	v3 =	vadd.s32 v1, v3  }
0x36: {  	[tilespmem:s14], [sflag:$0x1] =	stream.indirect_vreg.gather [hbm4b:s4+s3], $0x80, v4, vm0, $0xb8;
	[tilespmem:$0xC080] =	vst v63  }
0x37: {  	_ = 	snop  }
0x38: {  	[tilespmem:s15], [sflag:$0x1] =	stream.indirect_vreg.gather [hbm4b:s5+s3], $0x80, v4, vm0, $0xb8;
	[tilespmem:$0xC080] =	vst v63  }
0x39: {  	_ = 	snop  }
0x3a: {  	[tilespmem:s16], [sflag:$0x1] =	stream.indirect_vreg.gather [hbm4b:s1+s3], $0x80, v3, vm0, $0xb8;
	[tilespmem:$0xC080] =	vst v63  }
0x3b: {  	_ = 	snop  }
0x3c: {  	[tilespmem:s17], [sflag:$0x1] =	stream.indirect_vreg.gather [hbm4b:s4+s3], $0x80, v3, vm0, $0xb8;
	[tilespmem:$0xC080] =	vst v63  }
0x3d: {  	_ = 	snop  }
0x3e: {  	[tilespmem:s18], [sflag:$0x1] =	stream.indirect_vreg.gather [hbm4b:s5+s3], $0x80, v3, vm0, $0xb8;
	[tilespmem:$0xC080] =	vst v63  }
0x3f: {  	v3 =	vld [tilespmem:$0x20];
	_ =	sdelay $0x4  }
0x40: {  	v62 =	vshrl.u32 v3, $0x3  }
0x41: {  	v4 =	vmul.u32 $0x30, v62  }
0x42: {  	v3 =	vand.u32 $0x7, v3  }
0x43: {  	v3 =	vor.u32 v3, v4  }
0x44: {  	v4 =	vperm.xlane v3, v0;
	_ =	sdelay $0x1  }
0x45: {  	v4 =	vadd.s32 v1, v4;
	_ =	sdelay $0x3  }
0x46: {  	v3 =	vperm.xlane v3, v2  }
0x47: {  	[tilespmem:s19], [sflag:$0x1] =	stream.indirect_vreg.gather [hbm4b:s1+s3], $0x80, v4, vm0, $0xb8;
	[tilespmem:$0xC080] =	vst v63  }
0x48: {  	v3 =	vadd.s32 v1, v3  }
0x49: {  	[tilespmem:s20], [sflag:$0x1] =	stream.indirect_vreg.gather [hbm4b:s4+s3], $0x80, v4, vm0, $0xb8;
	[tilespmem:$0xC080] =	vst v63  }
0x4a: {  	_ = 	snop  }
0x4b: {  	[tilespmem:s21], [sflag:$0x1] =	stream.indirect_vreg.gather [hbm4b:s5+s3], $0x80, v4, vm0, $0xb8;
	[tilespmem:$0xC080] =	vst v63  }
0x4c: {  	_ = 	snop  }
0x4d: {  	[tilespmem:s22], [sflag:$0x1] =	stream.indirect_vreg.gather [hbm4b:s1+s3], $0x80, v3, vm0, $0xb8;
	[tilespmem:$0xC080] =	vst v63  }
0x4e: {  	_ = 	snop  }
0x4f: {  	[tilespmem:s23], [sflag:$0x1] =	stream.indirect_vreg.gather [hbm4b:s4+s3], $0x80, v3, vm0, $0xb8;
	[tilespmem:$0xC080] =	vst v63  }
0x50: {  	_ = 	snop  }
0x51: {  	[tilespmem:s24], [sflag:$0x1] =	stream.indirect_vreg.gather [hbm4b:s5+s3], $0x80, v3, vm0, $0xb8;
	[tilespmem:$0xC080] =	vst v63  }
0x52: {  	v3 =	vld [tilespmem:$0x30];
	_ =	sdelay $0x4  }
0x53: {  	v63 =	vshrl.u32 v3, $0x3  }
0x54: {  	v4 =	vmul.u32 $0x30, v63  }
0x55: {  	v3 =	vand.u32 $0x7, v3  }
0x56: {  	v3 =	vor.u32 v3, v4  }
0x57: {  	v4 =	vperm.xlane v3, v0;
	_ =	sdelay $0x1  }
0x58: {  	v4 =	vadd.s32 v1, v4;
	_ =	sdelay $0x3  }
0x59: {  	v3 =	vperm.xlane v3, v2  }
0x5a: {  	[tilespmem:s25], [sflag:$0x1] =	stream.indirect_vreg.gather [hbm4b:s1+s3], $0x80, v4, vm0, $0xb8;
	[tilespmem:$0xC080] =	vst v63  }
0x5b: {  	v3 =	vadd.s32 v1, v3  }
0x5c: {  	[tilespmem:s26], [sflag:$0x1] =	stream.indirect_vreg.gather [hbm4b:s4+s3], $0x80, v4, vm0, $0xb8;
	[tilespmem:$0xC080] =	vst v63  }
0x5d: {  	_ = 	snop  }
0x5e: {  	[tilespmem:s28], [sflag:$0x1] =	stream.indirect_vreg.gather [hbm4b:s5+s3], $0x80, v4, vm0, $0xb8;
	[tilespmem:$0xC080] =	vst v63  }
0x5f: {  	_ = 	snop  }
0x60: {  	[tilespmem:s29], [sflag:$0x1] =	stream.indirect_vreg.gather [hbm4b:s1+s3], $0x80, v3, vm0, $0xb8;
	[tilespmem:$0xC080] =	vst v63  }
0x61: {  	_ = 	snop  }
0x62: {  	[tilespmem:s30], [sflag:$0x1] =	stream.indirect_vreg.gather [hbm4b:s4+s3], $0x80, v3, vm0, $0xb8;
	[tilespmem:$0xC080] =	vst v63  }
0x63: {  	_ = 	snop  }
0x64: {  	[tilespmem:s31], [sflag:$0x1] =	stream.indirect_vreg.gather [hbm4b:s5+s3], $0x80, v3, vm0, $0xb8;
	[tilespmem:$0xC080] =	vst v63  }
0x65: {  	_ =	swait.ge [sflag:s0], $0xC000  }
0x66: {  	p0 =	sne.s32 s6, $0x1;
	[sflag:s0] =	ssyncset.done $0x0  }
.Ltmp0:
0x67: {  	s2 =	rddreg [dreg:$0x5];
	[sflag:s0] =	ssyncadd.s32 $0xFFFF4000;
	(pc) =	sbr.rel @p0 .LBB2_1-.Ltmp0, $4  }
0x68: {  	[hbm4b:s2+s3] =	stream.linear.scatter [tilespmem:s8], [sflag:$0x2], $0xC000, $0x38;
	[tilespmem:$0xC080] =	vst v63  }
0x69: {  	_ =	swait.ge [sflag:s7], $0xC000  }
0x6a: {  	[sflag:s7] =	ssyncset.done $0x0  }
0x6b: {  	s6 =	sadd.s32 $0xFFFFFFFF, s6;
	[sflag:s7] =	ssyncadd.s32 $0xFFFF4000  }
0x6c: {  	_ =	sfence.sel $0x180000  }
0x6d: {  	[bflag:$0x0] =	sbarrier.arrive $0xFFFF  }
0x6e: {  	_ =	strace $0x90000047  }
0x6f: {  	s0 =	stileid.u32;
	[bflag:$0x2] =	sbarrier.arrive $0xFFFF  }
0x70: {  	p0 =	sne.s32 s0, $0x0;
	s0 =	rddreg [dreg:$0x3]  }
0x71: {  	s0 =	sadd.s32 @!p0 $0x100000, s0  }
0x72: {  	[sflag:s0] =	ssyncadd.tile.s32 @!p0 $0x1;
	_ =	shalt  }
.Lfunc_end2:
_tile_overlayer_lowered:
.L_overlay_start_2:
0x73: {  	(tag) =	ssettag $0x2  }
0x74: {  	s0 =	rddreg [dreg:$0x0];
	s2 =	stileid.u32  }
0x75: {  	s1 =	rddreg [dreg:$0x1];
	p0 =	sne.s32 s2, $0x0  }
0x76: {  	s3 =	rddreg [dreg:$0x2];
	[bflag:$0x3] =	sbarrier.arrive $0xFFFF;
	s2 =	simm.s32 @!p0 $0x1C02  }
0x77: {  	[timem:s3], [sflag:s2] =	dma.local @!p0 [hbm:s0], s1  }
0x78: {  	s0 =	simm.s32 @!p0 $0x2  }
0x79: {  	_ =	swait.ge @!p0 [sflag:s0], s1  }
0x7a: {  	s1 =	ssub.s32 @!p0 $0x0, s1;
	[sflag:s0] =	ssyncset.done @!p0 $0x0  }
0x7b: {  	[sflag:s0] =	ssyncadd.s32 @!p0 s1  }
0x7c: {  	[bflag:$0x3] =	sbarrier.arrive $0xFFFF  }
0x7d: {  	_ =	shalt  }

</sc_bundles>
